<compile_context>
chip_gen: v7x
topology: tpu7x:2x2x1
jax: 0.10.2.dev20260603
libtpu: 0.0.44.dev20260713+nightly
codegen_flags: <defaults>
</compile_context>

<pallas_src>
import functools

import jax
import jax.numpy as jnp
from jax import lax
from jax.experimental import pallas as pl
from jax.experimental.pallas import tpu as pltpu
from jax.experimental.pallas import tpu_sc as plsc

N = 10000
D = 128
E = 320000
NC, NS = 2, 16
NW = NC * NS
NPAD = 10240
RPT = NPAD // NS
CHUNK = 128
EPW = E // NW
NCH = 80
NBUF = 4
BM = 1280
GRID = NPAD // BM

_mesh = plsc.VectorSubcoreMesh(core_axis_name="c", subcore_axis_name="s")



def _deg_body(dst_hbm, out_hbm, dst_v, ones_v, zero_v, deg_sh):
    c = lax.axis_index("c")
    s = lax.axis_index("s")
    wid = c * NS + s
    pltpu.sync_copy(dst_hbm.at[wid], dst_v)

    @pl.loop(0, CHUNK // 16)
    def _(i):
        ones_v[pl.ds(i * 16, 16)] = jnp.ones((16,), jnp.float32)

    @pl.loop(0, RPT // 16)
    def _(i):
        zero_v[pl.ds(i * 16, 16)] = jnp.zeros((16,), jnp.float32)

    pltpu.sync_copy(zero_v, deg_sh.at[pl.ds(s * RPT, RPT)])
    plsc.subcore_barrier()

    @pl.loop(0, NCH)
    def _(j):
        pltpu.sync_copy(ones_v, deg_sh.at[dst_v.at[j]], add=True)

    plsc.subcore_barrier()
    pltpu.sync_copy(deg_sh.at[pl.ds(s * RPT, RPT)],
                    out_hbm.at[c, pl.ds(s * RPT, RPT)])


_deg_call = pl.kernel(
    _deg_body,
    out_type=jax.ShapeDtypeStruct((NC, NPAD), jnp.float32),
    mesh=_mesh,
    scratch_types=[
        pltpu.VMEM((NCH, CHUNK), jnp.int32),
        pltpu.VMEM((CHUNK,), jnp.float32),
        pltpu.VMEM((RPT,), jnp.float32),
        pltpu.VMEM_SHARED((NPAD,), jnp.float32),
    ],
)



def _agg_body(g_hbm, src_hbm, dst_hbm, zeros_hbm, out_hbm,
              src_v, dst_v, rows0, rows1, rows2, rows3,
              gs0, gs1, gs2, gs3, acc_sh):
    c = lax.axis_index("c")
    s = lax.axis_index("s")
    wid = c * NS + s
    rows = (rows0, rows1, rows2, rows3)
    gsems = (gs0, gs1, gs2, gs3)

    pltpu.sync_copy(zeros_hbm.at[pl.ds(s * RPT, RPT)],
                    acc_sh.at[pl.ds(s * RPT, RPT)])
    pltpu.sync_copy(src_hbm.at[wid], src_v)
    pltpu.sync_copy(dst_hbm.at[wid], dst_v)
    plsc.subcore_barrier()

    @pl.loop(0, NCH)
    def _(j):
        pltpu.sync_copy(rows[0], acc_sh.at[dst_v.at[j]], add=True)

    plsc.subcore_barrier()
    pltpu.sync_copy(acc_sh.at[pl.ds(s * RPT, RPT)],
                    out_hbm.at[c, pl.ds(s * RPT, RPT)])


_agg_call = pl.kernel(
    _agg_body,
    out_type=jax.ShapeDtypeStruct((NC, NPAD, D), jnp.float32),
    mesh=_mesh,
    scratch_types=(
        [pltpu.VMEM((NCH, CHUNK), jnp.int32)] * 2
        + [pltpu.VMEM((CHUNK, D), jnp.float32)] * 4
        + [pltpu.SemaphoreType.DMA] * 4
        + [pltpu.VMEM_SHARED((NPAD, D), jnp.float32)]
    ),
)



def _dinv_of(deg_ref):
    dpair = deg_ref[...]
    return lax.rsqrt(dpair[:, 0:1] + dpair[:, 1:2] + 1.0)


def _mm_scale_body(deg_ref, x_ref, w_ref, g_ref):
    dinv = _dinv_of(deg_ref)
    h = jnp.dot(x_ref[...], w_ref[...], preferred_element_type=jnp.float32,
                precision=lax.Precision.HIGHEST)
    g_ref[...] = h * dinv


_mm_scale = pl.pallas_call(
    _mm_scale_body,
    grid=(GRID,),
    in_specs=[
        pl.BlockSpec((BM, 2), lambda i: (i, 0)),
        pl.BlockSpec((BM, D), lambda i: (i, 0)),
        pl.BlockSpec((D, D), lambda i: (0, 0)),
    ],
    out_specs=pl.BlockSpec((BM, D), lambda i: (i, 0)),
    out_shape=jax.ShapeDtypeStruct((NPAD, D), jnp.float32),
)


def _layer_body(deg_ref, acc_ref, g_ref, w_ref, b_ref, out_ref):
    dinv = _dinv_of(deg_ref)
    a = acc_ref[0] + acc_ref[1] + g_ref[...]
    u = jnp.maximum(a * dinv + b_ref[...], 0.0)
    h = jnp.dot(u, w_ref[...], preferred_element_type=jnp.float32,
                precision=lax.Precision.HIGHEST)
    out_ref[...] = h * dinv


_layer = pl.pallas_call(
    _layer_body,
    grid=(GRID,),
    in_specs=[
        pl.BlockSpec((BM, 2), lambda i: (i, 0)),
        pl.BlockSpec((NC, BM, D), lambda i: (0, i, 0)),
        pl.BlockSpec((BM, D), lambda i: (i, 0)),
        pl.BlockSpec((D, D), lambda i: (0, 0)),
        pl.BlockSpec((1, D), lambda i: (0, 0)),
    ],
    out_specs=pl.BlockSpec((BM, D), lambda i: (i, 0)),
    out_shape=jax.ShapeDtypeStruct((NPAD, D), jnp.float32),
)


def _final_body(deg_ref, acc_ref, g_ref, b_ref, out_ref):
    dinv = _dinv_of(deg_ref)
    a = acc_ref[0] + acc_ref[1] + g_ref[...]
    out_ref[...] = jnp.maximum(a * dinv + b_ref[...], 0.0)


_final = pl.pallas_call(
    _final_body,
    grid=(GRID,),
    in_specs=[
        pl.BlockSpec((BM, 2), lambda i: (i, 0)),
        pl.BlockSpec((NC, BM, D), lambda i: (0, i, 0)),
        pl.BlockSpec((BM, D), lambda i: (i, 0)),
        pl.BlockSpec((1, D), lambda i: (0, 0)),
    ],
    out_specs=pl.BlockSpec((BM, D), lambda i: (i, 0)),
    out_shape=jax.ShapeDtypeStruct((NPAD, D), jnp.float32),
)



def kernel(x, edge_index, batch_index, node_rankings, W, b):
    src = edge_index[0].astype(jnp.int32)
    dst = edge_index[1].astype(jnp.int32)
    ppw = NCH * CHUNK - EPW
    pad_src = jnp.zeros((NW, ppw), jnp.int32)
    pad_dst = jnp.broadcast_to(N + jnp.arange(ppw, dtype=jnp.int32), (NW, ppw))
    src_p = jnp.concatenate(
        [src.reshape(NW, EPW), pad_src], axis=1).reshape(NW, NCH, CHUNK)
    dst_p = jnp.concatenate(
        [dst.reshape(NW, EPW), pad_dst], axis=1).reshape(NW, NCH, CHUNK)
    x_pad = jnp.zeros((NPAD, D), jnp.float32).at[:N].set(x)
    zeros = jnp.zeros((NPAD, D), jnp.float32)
    b2d = b.reshape(1, D)

    deg_parts = _deg_call(dst_p)
    deg_pair = deg_parts.T
    g1 = _mm_scale(deg_pair, x_pad, W)
    acc1 = _agg_call(g1, src_p, dst_p, zeros)
    g2 = _layer(deg_pair, acc1, g1, W, b2d)
    acc2 = _agg_call(g2, src_p, dst_p, zeros)
    out = _final(deg_pair, acc2, g2, b2d)
    return out[:N]

# --- scband reference (transcript-rebuilt; emitter-appended) ---
"""Pipeline reference for scband-gcnblock-time-inv-75230647157513 (READ-ONLY COPY).

The authoritative reference and input builder live on the scoring server;
editing this copy changes nothing except your own understanding.
"""

import jax, jax.numpy as jnp
import numpy as np

DEPTH = 2
N_NODES = 10000
N_EDGES = 320000
D_FEAT = 128


def gcn_conv(x, src, dst, W, b):
    # GCNConv: x' = D^{-1/2} (A + I) D^{-1/2} (x W) + b
    N = x.shape[0]
    h = x @ W
    deg = jnp.zeros((N,), dtype=x.dtype).at[dst].add(jnp.ones((src.shape[0],), dtype=x.dtype))
    dinv = jnp.where(deg > 0, jax.lax.rsqrt(jnp.maximum(deg, 1e-12)), 0.0)
    norm = (dinv[src] * dinv[dst])[:, None]
    msg = jnp.take(h, src, axis=0) * norm
    out = jnp.zeros_like(h).at[dst].add(msg)
    return out + b


def setup_inputs(seed: int = 0) -> dict:
    key = jax.random.key(seed)
    k1, k2, k3, k4 = jax.random.split(key, 4)
    x = jax.random.normal(k1, (N_NODES, D_FEAT), dtype=jnp.float32)
    edge_index = jax.random.randint(k2, (2, N_EDGES), 0, N_NODES, dtype=jnp.int32)
    batch_index = jnp.zeros((N_NODES,), dtype=jnp.int32)
    node_rankings = jax.random.randint(k3, (N_NODES,), 0, N_NODES, dtype=jnp.int32)
    # learned params of GCNConv(feature_dim, feature_dim)
    W = jax.random.normal(k4, (D_FEAT, D_FEAT), dtype=jnp.float32) * (1.0 / np.sqrt(D_FEAT))
    b = jnp.zeros((D_FEAT,), dtype=jnp.float32)
    return {"x": x, "edge_index": edge_index, "batch_index": batch_index,
            "node_rankings": node_rankings, "W": W, "b": b}


def reference(x, edge_index, batch_index, node_rankings, W, b):
    # NullControl contributes 0; dropout_rate=0.0 and eval mode -> dropout is identity.
    N = x.shape[0]
    src = edge_index[0]
    dst = edge_index[1]
    loop = jnp.arange(N, dtype=src.dtype)
    src_sl = jnp.concatenate([src, loop])
    dst_sl = jnp.concatenate([dst, loop])
    h = x
    for _ in range(DEPTH):
        h = gcn_conv(h, src_sl, dst_sl, W, b)
        h = jax.nn.relu(h)  # linear=False
    return h

if __name__ == "__main__":
    import jax
    _d = setup_inputs()
    print(jax.jit(kernel)(*tuple(_d.values())))

</pallas_src>

<mosaic_0001>
#map = affine_map<(d0, d1) -> (0, 0)>
#map1 = affine_map<(d0, d1) -> (0, 0, 0)>
module attributes {stable_mosaic.version = 14 : i64} {
  func.func @_agg_body(%arg0: i32, %arg1: i32, %arg2: memref<10240x128xf32, #tpu.memory_space<hbm>>, %arg3: memref<32x80x128xi32, #tpu.memory_space<hbm>>, %arg4: memref<32x80x128xi32, #tpu.memory_space<hbm>>, %arg5: memref<10240x128xf32, #tpu.memory_space<hbm>>, %arg6: memref<2x10240x128xf32, #tpu.memory_space<hbm>>, %arg7: memref<80x128xi32, #tpu.memory_space<vmem>>, %arg8: memref<80x128xi32, #tpu.memory_space<vmem>>, %arg9: memref<128x128xf32, #tpu.memory_space<vmem>>, %arg10: memref<128x128xf32, #tpu.memory_space<vmem>>, %arg11: memref<128x128xf32, #tpu.memory_space<vmem>>, %arg12: memref<128x128xf32, #tpu.memory_space<vmem>>, %arg13: memref<!tpu.dma_semaphore, #tpu.memory_space<semaphore_mem>>, %arg14: memref<!tpu.dma_semaphore, #tpu.memory_space<semaphore_mem>>, %arg15: memref<!tpu.dma_semaphore, #tpu.memory_space<semaphore_mem>>, %arg16: memref<!tpu.dma_semaphore, #tpu.memory_space<semaphore_mem>>, %arg17: memref<10240x128xf32, #tpu.memory_space<vmem_shared>>) attributes {dimension_semantics = [#tpu.dimension_semantics<core_parallel>, #tpu.dimension_semantics<subcore_parallel>], iteration_bounds = array<i64: 2, 16>, scalar_prefetch = 0 : i64, scratch_operands = 11 : i64, tpu.core_type = #tpu.core_type<sc_vector_subcore>, window_params = [{transform_indices = #map}, {transform_indices = #map1}, {transform_indices = #map1}, {transform_indices = #map}, {transform_indices = #map1}]} {
    %mul3A = arith.constant 16 : i32
    %mul3A_0 = arith.muli %arg0, %mul3A : i32
    %add3A = arith.addi %mul3A_0, %arg1 : i32
    %mul3A_1 = arith.constant 640 : i32
    %mul3A_2 = arith.muli %arg1, %mul3A_1 : i32
    %mul3A_3 = arith.constant 640 : i32
    %mul3A_4 = arith.muli %arg1, %mul3A_3 : i32
    "tpu.region"() ({
      %run_scoped3A = tpu.sem_alloc : memref<!tpu.dma_semaphore, #tpu.memory_space<semaphore_mem>>
      %dma_start3A = arith.constant 0 : i32
      %dma_start3A_14 = tpu.memref_slice %arg17[%mul3A_4, %dma_start3A] : memref<10240x128xf32, #tpu.memory_space<vmem_shared>> -> memref<640x128xf32, #tpu.memory_space<vmem_shared>>
      %dma_start3A_15 = arith.constant 0 : i32
      %dma_start3A_16 = tpu.memref_slice %arg5[%mul3A_2, %dma_start3A_15] : memref<10240x128xf32, #tpu.memory_space<hbm>> -> memref<640x128xf32, #tpu.memory_space<hbm>>
      tpu.enqueue_dma source(%dma_start3A_16 : memref<640x128xf32, #tpu.memory_space<hbm>>) target(%dma_start3A_14 : memref<640x128xf32, #tpu.memory_space<vmem_shared>>) target_semaphore(%run_scoped3A : memref<!tpu.dma_semaphore, #tpu.memory_space<semaphore_mem>>)
      %dma_wait3A = arith.constant 0 : i32
      %dma_wait3A_17 = tpu.memref_slice %arg17[%mul3A_4, %dma_wait3A] : memref<10240x128xf32, #tpu.memory_space<vmem_shared>> -> memref<640x128xf32, #tpu.memory_space<vmem_shared>>
      %dma_wait3A_18 = arith.constant 0 : i32
      %dma_wait3A_19 = tpu.memref_slice %arg5[%mul3A_2, %dma_wait3A_18] : memref<10240x128xf32, #tpu.memory_space<hbm>> -> memref<640x128xf32, #tpu.memory_space<hbm>>
      tpu.wait_dma2 semaphore(%run_scoped3A : memref<!tpu.dma_semaphore, #tpu.memory_space<semaphore_mem>>) src(%dma_wait3A_19 : memref<640x128xf32, #tpu.memory_space<hbm>>) dst(%dma_wait3A_17 : memref<640x128xf32, #tpu.memory_space<vmem_shared>>)
      tpu.yield
    }) : () -> ()
    "tpu.region"() ({
      %run_scoped3A = tpu.sem_alloc : memref<!tpu.dma_semaphore, #tpu.memory_space<semaphore_mem>>
      %dma_start3A = arith.constant 0 : i32
      %dma_start3A_14 = arith.constant 0 : i32
      %dma_start3A_15 = tpu.memref_slice %arg3[%add3A, %dma_start3A, %dma_start3A_14] : memref<32x80x128xi32, #tpu.memory_space<hbm>> -> memref<1x80x128xi32, #tpu.memory_space<hbm>>
      %dma_start3A_16 = tpu.memref_squeeze %dma_start3A_15 : memref<1x80x128xi32, #tpu.memory_space<hbm>> -> memref<80x128xi32, #tpu.memory_space<hbm>>
      %dma_start3A_17 = arith.constant 0 : i32
      %dma_start3A_18 = arith.constant 0 : i32
      %dma_start3A_19 = tpu.memref_slice %arg3[%add3A, %dma_start3A_17, %dma_start3A_18] : memref<32x80x128xi32, #tpu.memory_space<hbm>> -> memref<1x80x128xi32, #tpu.memory_space<hbm>>
      %dma_start3A_20 = tpu.memref_squeeze %dma_start3A_19 : memref<1x80x128xi32, #tpu.memory_space<hbm>> -> memref<80x128xi32, #tpu.memory_space<hbm>>
      tpu.enqueue_dma source(%dma_start3A_20 : memref<80x128xi32, #tpu.memory_space<hbm>>) target(%arg7 : memref<80x128xi32, #tpu.memory_space<vmem>>) target_semaphore(%run_scoped3A : memref<!tpu.dma_semaphore, #tpu.memory_space<semaphore_mem>>)
      %dma_wait3A = arith.constant 0 : i32
      %dma_wait3A_21 = arith.constant 0 : i32
      %dma_wait3A_22 = tpu.memref_slice %arg3[%add3A, %dma_wait3A, %dma_wait3A_21] : memref<32x80x128xi32, #tpu.memory_space<hbm>> -> memref<1x80x128xi32, #tpu.memory_space<hbm>>
      %dma_wait3A_23 = tpu.memref_squeeze %dma_wait3A_22 : memref<1x80x128xi32, #tpu.memory_space<hbm>> -> memref<80x128xi32, #tpu.memory_space<hbm>>
      %dma_wait3A_24 = arith.constant 0 : i32
      %dma_wait3A_25 = arith.constant 0 : i32
      %dma_wait3A_26 = tpu.memref_slice %arg3[%add3A, %dma_wait3A_24, %dma_wait3A_25] : memref<32x80x128xi32, #tpu.memory_space<hbm>> -> memref<1x80x128xi32, #tpu.memory_space<hbm>>
      %dma_wait3A_27 = tpu.memref_squeeze %dma_wait3A_26 : memref<1x80x128xi32, #tpu.memory_space<hbm>> -> memref<80x128xi32, #tpu.memory_space<hbm>>
      tpu.wait_dma2 semaphore(%run_scoped3A : memref<!tpu.dma_semaphore, #tpu.memory_space<semaphore_mem>>) src(%dma_wait3A_27 : memref<80x128xi32, #tpu.memory_space<hbm>>) dst(%arg7 : memref<80x128xi32, #tpu.memory_space<vmem>>)
      tpu.yield
    }) : () -> ()
    "tpu.region"() ({
      %run_scoped3A = tpu.sem_alloc : memref<!tpu.dma_semaphore, #tpu.memory_space<semaphore_mem>>
      %dma_start3A = arith.constant 0 : i32
      %dma_start3A_14 = arith.constant 0 : i32
      %dma_start3A_15 = tpu.memref_slice %arg4[%add3A, %dma_start3A, %dma_start3A_14] : memref<32x80x128xi32, #tpu.memory_space<hbm>> -> memref<1x80x128xi32, #tpu.memory_space<hbm>>
      %dma_start3A_16 = tpu.memref_squeeze %dma_start3A_15 : memref<1x80x128xi32, #tpu.memory_space<hbm>> -> memref<80x128xi32, #tpu.memory_space<hbm>>
      %dma_start3A_17 = arith.constant 0 : i32
      %dma_start3A_18 = arith.constant 0 : i32
      %dma_start3A_19 = tpu.memref_slice %arg4[%add3A, %dma_start3A_17, %dma_start3A_18] : memref<32x80x128xi32, #tpu.memory_space<hbm>> -> memref<1x80x128xi32, #tpu.memory_space<hbm>>
      %dma_start3A_20 = tpu.memref_squeeze %dma_start3A_19 : memref<1x80x128xi32, #tpu.memory_space<hbm>> -> memref<80x128xi32, #tpu.memory_space<hbm>>
      tpu.enqueue_dma source(%dma_start3A_20 : memref<80x128xi32, #tpu.memory_space<hbm>>) target(%arg8 : memref<80x128xi32, #tpu.memory_space<vmem>>) target_semaphore(%run_scoped3A : memref<!tpu.dma_semaphore, #tpu.memory_space<semaphore_mem>>)
      %dma_wait3A = arith.constant 0 : i32
      %dma_wait3A_21 = arith.constant 0 : i32
      %dma_wait3A_22 = tpu.memref_slice %arg4[%add3A, %dma_wait3A, %dma_wait3A_21] : memref<32x80x128xi32, #tpu.memory_space<hbm>> -> memref<1x80x128xi32, #tpu.memory_space<hbm>>
      %dma_wait3A_23 = tpu.memref_squeeze %dma_wait3A_22 : memref<1x80x128xi32, #tpu.memory_space<hbm>> -> memref<80x128xi32, #tpu.memory_space<hbm>>
      %dma_wait3A_24 = arith.constant 0 : i32
      %dma_wait3A_25 = arith.constant 0 : i32
      %dma_wait3A_26 = tpu.memref_slice %arg4[%add3A, %dma_wait3A_24, %dma_wait3A_25] : memref<32x80x128xi32, #tpu.memory_space<hbm>> -> memref<1x80x128xi32, #tpu.memory_space<hbm>>
      %dma_wait3A_27 = tpu.memref_squeeze %dma_wait3A_26 : memref<1x80x128xi32, #tpu.memory_space<hbm>> -> memref<80x128xi32, #tpu.memory_space<hbm>>
      tpu.wait_dma2 semaphore(%run_scoped3A : memref<!tpu.dma_semaphore, #tpu.memory_space<semaphore_mem>>) src(%dma_wait3A_27 : memref<80x128xi32, #tpu.memory_space<hbm>>) dst(%arg8 : memref<80x128xi32, #tpu.memory_space<vmem>>)
      tpu.yield
    }) : () -> ()
    %barrier3A = arith.constant 0 : index
    tpu.barrier barrier_id(%barrier3A)
    %scan3A = arith.constant 0 : i32
    %scan3A_5 = arith.constant 80 : i32
    %scan3A_6 = arith.addi %scan3A, %scan3A_5 : i32
    %scan3A_7 = arith.constant 1 : i32
    scf.for %scan3A_14 = %scan3A to %scan3A_6 step %scan3A_7  : i32 {
      %mul3A_15 = arith.constant 1 : i32
      %mul3A_16 = arith.muli %scan3A_14, %mul3A_15 : i32
      %add3A_17 = arith.constant 0 : i32
      %add3A_18 = arith.addi %add3A_17, %mul3A_16 : i32
      "tpu.region"() ({
        %run_scoped3A = tpu.sem_alloc : memref<!tpu.dma_semaphore, #tpu.memory_space<semaphore_mem>>
        %dma_start3A = arith.constant 0 : i32
        %dma_start3A_19 = tpu.memref_slice %arg8[%add3A_18, %dma_start3A] : memref<80x128xi32, #tpu.memory_space<vmem>> -> memref<1x128xi32, #tpu.memory_space<vmem>>
        %dma_start3A_20 = tpu.memref_squeeze %dma_start3A_19 : memref<1x128xi32, #tpu.memory_space<vmem>> -> memref<128xi32, #tpu.memory_space<vmem>>
        %dma_start3A_21 = arith.constant 0 : i32
        %dma_start3A_22 = arith.constant 0 : i32
        %dma_start3A_23 = tpu.memref_slice %arg17[%dma_start3A_21, %dma_start3A_22] : memref<10240x128xf32, #tpu.memory_space<vmem_shared>> -> memref<10240x128xf32, #tpu.memory_space<vmem_shared>>
        tpu.enqueue_indirect_dma source(%arg9 : memref<128x128xf32, #tpu.memory_space<vmem>>) target(%dma_start3A_23 : memref<10240x128xf32, #tpu.memory_space<vmem_shared>>) offsets(%dma_start3A_20 : memref<128xi32, #tpu.memory_space<vmem>>) semaphore(%run_scoped3A : memref<!tpu.dma_semaphore, #tpu.memory_space<semaphore_mem>>) {add = true}
        %dma_wait3A = arith.constant 0 : i32
        %dma_wait3A_24 = tpu.memref_slice %arg8[%add3A_18, %dma_wait3A] : memref<80x128xi32, #tpu.memory_space<vmem>> -> memref<1x128xi32, #tpu.memory_space<vmem>>
        %dma_wait3A_25 = tpu.memref_squeeze %dma_wait3A_24 : memref<1x128xi32, #tpu.memory_space<vmem>> -> memref<128xi32, #tpu.memory_space<vmem>>
        %dma_wait3A_26 = arith.constant 0 : i32
        %dma_wait3A_27 = arith.constant 0 : i32
        %dma_wait3A_28 = tpu.memref_slice %arg17[%dma_wait3A_26, %dma_wait3A_27] : memref<10240x128xf32, #tpu.memory_space<vmem_shared>> -> memref<10240x128xf32, #tpu.memory_space<vmem_shared>>
        tpu.wait_indirect_dma semaphore(%run_scoped3A : memref<!tpu.dma_semaphore, #tpu.memory_space<semaphore_mem>>) src(%arg9 : memref<128x128xf32, #tpu.memory_space<vmem>>) dst(%dma_wait3A_28 : memref<10240x128xf32, #tpu.memory_space<vmem_shared>>)
        tpu.yield
      }) : () -> ()
    }
    %scan3A_8 = arith.constant 80 : i32
    %barrier3A_9 = arith.constant 0 : index
    tpu.barrier barrier_id(%barrier3A_9)
    %mul3A_10 = arith.constant 640 : i32
    %mul3A_11 = arith.muli %arg1, %mul3A_10 : i32
    %mul3A_12 = arith.constant 640 : i32
    %mul3A_13 = arith.muli %arg1, %mul3A_12 : i32
    "tpu.region"() ({
      %run_scoped3A = tpu.sem_alloc : memref<!tpu.dma_semaphore, #tpu.memory_space<semaphore_mem>>
      %dma_start3A = arith.constant 0 : i32
      %dma_start3A_14 = tpu.memref_slice %arg6[%arg0, %mul3A_13, %dma_start3A] : memref<2x10240x128xf32, #tpu.memory_space<hbm>> -> memref<1x640x128xf32, #tpu.memory_space<hbm>>
      %dma_start3A_15 = tpu.memref_squeeze %dma_start3A_14 : memref<1x640x128xf32, #tpu.memory_space<hbm>> -> memref<640x128xf32, #tpu.memory_space<hbm>>
      %dma_start3A_16 = arith.constant 0 : i32
      %dma_start3A_17 = tpu.memref_slice %arg17[%mul3A_11, %dma_start3A_16] : memref<10240x128xf32, #tpu.memory_space<vmem_shared>> -> memref<640x128xf32, #tpu.memory_space<vmem_shared>>
      tpu.enqueue_dma source(%dma_start3A_17 : memref<640x128xf32, #tpu.memory_space<vmem_shared>>) target(%dma_start3A_15 : memref<640x128xf32, #tpu.memory_space<hbm>>) target_semaphore(%run_scoped3A : memref<!tpu.dma_semaphore, #tpu.memory_space<semaphore_mem>>)
      %dma_wait3A = arith.constant 0 : i32
      %dma_wait3A_18 = tpu.memref_slice %arg6[%arg0, %mul3A_13, %dma_wait3A] : memref<2x10240x128xf32, #tpu.memory_space<hbm>> -> memref<1x640x128xf32, #tpu.memory_space<hbm>>
      %dma_wait3A_19 = tpu.memref_squeeze %dma_wait3A_18 : memref<1x640x128xf32, #tpu.memory_space<hbm>> -> memref<640x128xf32, #tpu.memory_space<hbm>>
      %dma_wait3A_20 = arith.constant 0 : i32
      %dma_wait3A_21 = tpu.memref_slice %arg17[%mul3A_11, %dma_wait3A_20] : memref<10240x128xf32, #tpu.memory_space<vmem_shared>> -> memref<640x128xf32, #tpu.memory_space<vmem_shared>>
      tpu.wait_dma2 semaphore(%run_scoped3A : memref<!tpu.dma_semaphore, #tpu.memory_space<semaphore_mem>>) src(%dma_wait3A_21 : memref<640x128xf32, #tpu.memory_space<vmem_shared>>) dst(%dma_wait3A_19 : memref<640x128xf32, #tpu.memory_space<hbm>>)
      tpu.yield
    }) : () -> ()
    return
  }
}

#map = affine_map<(d0, d1) -> (0, 0, 0)>
#map1 = affine_map<(d0, d1) -> (0, 0)>
module attributes {stable_mosaic.version = 14 : i64} {
  func.func @_deg_body(%arg0: i32, %arg1: i32, %arg2: memref<32x80x128xi32, #tpu.memory_space<hbm>>, %arg3: memref<2x10240xf32, #tpu.memory_space<hbm>>, %arg4: memref<80x128xi32, #tpu.memory_space<vmem>>, %arg5: memref<128xf32, #tpu.memory_space<vmem>>, %arg6: memref<640xf32, #tpu.memory_space<vmem>>, %arg7: memref<10240xf32, #tpu.memory_space<vmem_shared>>) attributes {dimension_semantics = [#tpu.dimension_semantics<core_parallel>, #tpu.dimension_semantics<subcore_parallel>], iteration_bounds = array<i64: 2, 16>, scalar_prefetch = 0 : i64, scratch_operands = 4 : i64, tpu.core_type = #tpu.core_type<sc_vector_subcore>, window_params = [{transform_indices = #map}, {transform_indices = #map1}]} {
    %mul3A = arith.constant 16 : i32
    %mul3A_0 = arith.muli %arg0, %mul3A : i32
    %add3A = arith.addi %mul3A_0, %arg1 : i32
    "tpu.region"() ({
      %run_scoped3A = tpu.sem_alloc : memref<!tpu.dma_semaphore, #tpu.memory_space<semaphore_mem>>
      %dma_start3A = arith.constant 0 : i32
      %dma_start3A_22 = arith.constant 0 : i32
      %dma_start3A_23 = tpu.memref_slice %arg2[%add3A, %dma_start3A, %dma_start3A_22] : memref<32x80x128xi32, #tpu.memory_space<hbm>> -> memref<1x80x128xi32, #tpu.memory_space<hbm>>
      %dma_start3A_24 = tpu.memref_squeeze %dma_start3A_23 : memref<1x80x128xi32, #tpu.memory_space<hbm>> -> memref<80x128xi32, #tpu.memory_space<hbm>>
      %dma_start3A_25 = arith.constant 0 : i32
      %dma_start3A_26 = arith.constant 0 : i32
      %dma_start3A_27 = tpu.memref_slice %arg2[%add3A, %dma_start3A_25, %dma_start3A_26] : memref<32x80x128xi32, #tpu.memory_space<hbm>> -> memref<1x80x128xi32, #tpu.memory_space<hbm>>
      %dma_start3A_28 = tpu.memref_squeeze %dma_start3A_27 : memref<1x80x128xi32, #tpu.memory_space<hbm>> -> memref<80x128xi32, #tpu.memory_space<hbm>>
      tpu.enqueue_dma source(%dma_start3A_28 : memref<80x128xi32, #tpu.memory_space<hbm>>) target(%arg4 : memref<80x128xi32, #tpu.memory_space<vmem>>) target_semaphore(%run_scoped3A : memref<!tpu.dma_semaphore, #tpu.memory_space<semaphore_mem>>)
      %dma_wait3A = arith.constant 0 : i32
      %dma_wait3A_29 = arith.constant 0 : i32
      %dma_wait3A_30 = tpu.memref_slice %arg2[%add3A, %dma_wait3A, %dma_wait3A_29] : memref<32x80x128xi32, #tpu.memory_space<hbm>> -> memref<1x80x128xi32, #tpu.memory_space<hbm>>
      %dma_wait3A_31 = tpu.memref_squeeze %dma_wait3A_30 : memref<1x80x128xi32, #tpu.memory_space<hbm>> -> memref<80x128xi32, #tpu.memory_space<hbm>>
      %dma_wait3A_32 = arith.constant 0 : i32
      %dma_wait3A_33 = arith.constant 0 : i32
      %dma_wait3A_34 = tpu.memref_slice %arg2[%add3A, %dma_wait3A_32, %dma_wait3A_33] : memref<32x80x128xi32, #tpu.memory_space<hbm>> -> memref<1x80x128xi32, #tpu.memory_space<hbm>>
      %dma_wait3A_35 = tpu.memref_squeeze %dma_wait3A_34 : memref<1x80x128xi32, #tpu.memory_space<hbm>> -> memref<80x128xi32, #tpu.memory_space<hbm>>
      tpu.wait_dma2 semaphore(%run_scoped3A : memref<!tpu.dma_semaphore, #tpu.memory_space<semaphore_mem>>) src(%dma_wait3A_35 : memref<80x128xi32, #tpu.memory_space<hbm>>) dst(%arg4 : memref<80x128xi32, #tpu.memory_space<vmem>>)
      tpu.yield
    }) : () -> ()
    %scan3A = arith.constant 0 : i32
    %scan3A_1 = arith.constant 8 : i32
    %scan3A_2 = arith.addi %scan3A, %scan3A_1 : i32
    %scan3A_3 = arith.constant 1 : i32
    scf.for %scan3A_22 = %scan3A to %scan3A_2 step %scan3A_3  : i32 {
      %mul3A_23 = arith.constant 1 : i32
      %mul3A_24 = arith.muli %scan3A_22, %mul3A_23 : i32
      %add3A_25 = arith.constant 0 : i32
      %add3A_26 = arith.addi %add3A_25, %mul3A_24 : i32
      %broadcast_in_dim3A = arith.constant 1.000000e+00 : f32
      %broadcast_in_dim3A_27 = vector.broadcast %broadcast_in_dim3A : f32 to vector<16xf32>
      %mul3A_28 = arith.constant 16 : i32
      %mul3A_29 = arith.muli %add3A_26, %mul3A_28 : i32
      %swap3A = arith.index_cast %mul3A_29 : i32 to index
      %swap3A_30 = tpu.vector_load %arg5[%swap3A] {strides = array<i32>} : memref<128xf32, #tpu.memory_space<vmem>>, vector<16xf32>,
      %swap3A_31 = vector.shape_cast %swap3A_30 : vector<16xf32> to vector<16xf32>
      %swap3A_32 = vector.shape_cast %broadcast_in_dim3A_27 : vector<16xf32> to vector<16xf32>
      tpu.vector_store %arg5[%swap3A], %swap3A_32 {strides = array<i32>} : memref<128xf32, #tpu.memory_space<vmem>>, vector<16xf32>,
    }
    %scan3A_4 = arith.constant 8 : i32
    %scan3A_5 = arith.constant 0 : i32
    %scan3A_6 = arith.constant 40 : i32
    %scan3A_7 = arith.addi %scan3A_5, %scan3A_6 : i32
    %scan3A_8 = arith.constant 1 : i32
    scf.for %scan3A_22 = %scan3A_5 to %scan3A_7 step %scan3A_8  : i32 {
      %mul3A_23 = arith.constant 1 : i32
      %mul3A_24 = arith.muli %scan3A_22, %mul3A_23 : i32
      %add3A_25 = arith.constant 0 : i32
      %add3A_26 = arith.addi %add3A_25, %mul3A_24 : i32
      %broadcast_in_dim3A = arith.constant 0.000000e+00 : f32
      %broadcast_in_dim3A_27 = vector.broadcast %broadcast_in_dim3A : f32 to vector<16xf32>
      %mul3A_28 = arith.constant 16 : i32
      %mul3A_29 = arith.muli %add3A_26, %mul3A_28 : i32
      %swap3A = arith.index_cast %mul3A_29 : i32 to index
      %swap3A_30 = tpu.vector_load %arg6[%swap3A] {strides = array<i32>} : memref<640xf32, #tpu.memory_space<vmem>>, vector<16xf32>,
      %swap3A_31 = vector.shape_cast %swap3A_30 : vector<16xf32> to vector<16xf32>
      %swap3A_32 = vector.shape_cast %broadcast_in_dim3A_27 : vector<16xf32> to vector<16xf32>
      tpu.vector_store %arg6[%swap3A], %swap3A_32 {strides = array<i32>} : memref<640xf32, #tpu.memory_space<vmem>>, vector<16xf32>,
    }
    %scan3A_9 = arith.constant 40 : i32
    %mul3A_10 = arith.constant 640 : i32
    %mul3A_11 = arith.muli %arg1, %mul3A_10 : i32
    "tpu.region"() ({
      %run_scoped3A = tpu.sem_alloc : memref<!tpu.dma_semaphore, #tpu.memory_space<semaphore_mem>>
      %dma_start3A = tpu.memref_slice %arg7[%mul3A_11] : memref<10240xf32, #tpu.memory_space<vmem_shared>> -> memref<640xf32, #tpu.memory_space<vmem_shared>>
      %dma_start3A_22 = tpu.memref_slice %arg7[%mul3A_11] : memref<10240xf32, #tpu.memory_space<vmem_shared>> -> memref<640xf32, #tpu.memory_space<vmem_shared>>
      tpu.enqueue_dma source(%arg6 : memref<640xf32, #tpu.memory_space<vmem>>) target(%dma_start3A_22 : memref<640xf32, #tpu.memory_space<vmem_shared>>) target_semaphore(%run_scoped3A : memref<!tpu.dma_semaphore, #tpu.memory_space<semaphore_mem>>)
      %dma_wait3A = tpu.memref_slice %arg7[%mul3A_11] : memref<10240xf32, #tpu.memory_space<vmem_shared>> -> memref<640xf32, #tpu.memory_space<vmem_shared>>
      %dma_wait3A_23 = tpu.memref_slice %arg7[%mul3A_11] : memref<10240xf32, #tpu.memory_space<vmem_shared>> -> memref<640xf32, #tpu.memory_space<vmem_shared>>
      tpu.wait_dma2 semaphore(%run_scoped3A : memref<!tpu.dma_semaphore, #tpu.memory_space<semaphore_mem>>) src(%arg6 : memref<640xf32, #tpu.memory_space<vmem>>) dst(%dma_wait3A_23 : memref<640xf32, #tpu.memory_space<vmem_shared>>)
      tpu.yield
    }) : () -> ()
    %barrier3A = arith.constant 0 : index
    tpu.barrier barrier_id(%barrier3A)
    %scan3A_12 = arith.constant 0 : i32
    %scan3A_13 = arith.constant 80 : i32
    %scan3A_14 = arith.addi %scan3A_12, %scan3A_13 : i32
    %scan3A_15 = arith.constant 1 : i32
    scf.for %scan3A_22 = %scan3A_12 to %scan3A_14 step %scan3A_15  : i32 {
      %mul3A_23 = arith.constant 1 : i32
      %mul3A_24 = arith.muli %scan3A_22, %mul3A_23 : i32
      %add3A_25 = arith.constant 0 : i32
      %add3A_26 = arith.addi %add3A_25, %mul3A_24 : i32
      "tpu.region"() ({
        %run_scoped3A = tpu.sem_alloc : memref<!tpu.dma_semaphore, #tpu.memory_space<semaphore_mem>>
        %dma_start3A = arith.constant 0 : i32
        %dma_start3A_27 = tpu.memref_slice %arg4[%add3A_26, %dma_start3A] : memref<80x128xi32, #tpu.memory_space<vmem>> -> memref<1x128xi32, #tpu.memory_space<vmem>>
        %dma_start3A_28 = tpu.memref_squeeze %dma_start3A_27 : memref<1x128xi32, #tpu.memory_space<vmem>> -> memref<128xi32, #tpu.memory_space<vmem>>
        %dma_start3A_29 = arith.constant 0 : i32
        %dma_start3A_30 = tpu.memref_slice %arg7[%dma_start3A_29] : memref<10240xf32, #tpu.memory_space<vmem_shared>> -> memref<10240xf32, #tpu.memory_space<vmem_shared>>
        tpu.enqueue_indirect_dma source(%arg5 : memref<128xf32, #tpu.memory_space<vmem>>) target(%dma_start3A_30 : memref<10240xf32, #tpu.memory_space<vmem_shared>>) offsets(%dma_start3A_28 : memref<128xi32, #tpu.memory_space<vmem>>) semaphore(%run_scoped3A : memref<!tpu.dma_semaphore, #tpu.memory_space<semaphore_mem>>) {add = true}
        %dma_wait3A = arith.constant 0 : i32
        %dma_wait3A_31 = tpu.memref_slice %arg4[%add3A_26, %dma_wait3A] : memref<80x128xi32, #tpu.memory_space<vmem>> -> memref<1x128xi32, #tpu.memory_space<vmem>>
        %dma_wait3A_32 = tpu.memref_squeeze %dma_wait3A_31 : memref<1x128xi32, #tpu.memory_space<vmem>> -> memref<128xi32, #tpu.memory_space<vmem>>
        %dma_wait3A_33 = arith.constant 0 : i32
        %dma_wait3A_34 = tpu.memref_slice %arg7[%dma_wait3A_33] : memref<10240xf32, #tpu.memory_space<vmem_shared>> -> memref<10240xf32, #tpu.memory_space<vmem_shared>>
        tpu.wait_indirect_dma semaphore(%run_scoped3A : memref<!tpu.dma_semaphore, #tpu.memory_space<semaphore_mem>>) src(%arg5 : memref<128xf32, #tpu.memory_space<vmem>>) dst(%dma_wait3A_34 : memref<10240xf32, #tpu.memory_space<vmem_shared>>)
        tpu.yield
      }) : () -> ()
    }
    %scan3A_16 = arith.constant 80 : i32
    %barrier3A_17 = arith.constant 0 : index
    tpu.barrier barrier_id(%barrier3A_17)
    %mul3A_18 = arith.constant 640 : i32
    %mul3A_19 = arith.muli %arg1, %mul3A_18 : i32
    %mul3A_20 = arith.constant 640 : i32
    %mul3A_21 = arith.muli %arg1, %mul3A_20 : i32
    "tpu.region"() ({
      %run_scoped3A = tpu.sem_alloc : memref<!tpu.dma_semaphore, #tpu.memory_space<semaphore_mem>>
      %dma_start3A = tpu.memref_slice %arg3[%arg0, %mul3A_21] : memref<2x10240xf32, #tpu.memory_space<hbm>> -> memref<1x640xf32, #tpu.memory_space<hbm>>
      %dma_start3A_22 = tpu.memref_squeeze %dma_start3A : memref<1x640xf32, #tpu.memory_space<hbm>> -> memref<640xf32, #tpu.memory_space<hbm>>
      %dma_start3A_23 = tpu.memref_slice %arg7[%mul3A_19] : memref<10240xf32, #tpu.memory_space<vmem_shared>> -> memref<640xf32, #tpu.memory_space<vmem_shared>>
      tpu.enqueue_dma source(%dma_start3A_23 : memref<640xf32, #tpu.memory_space<vmem_shared>>) target(%dma_start3A_22 : memref<640xf32, #tpu.memory_space<hbm>>) target_semaphore(%run_scoped3A : memref<!tpu.dma_semaphore, #tpu.memory_space<semaphore_mem>>)
      %dma_wait3A = tpu.memref_slice %arg3[%arg0, %mul3A_21] : memref<2x10240xf32, #tpu.memory_space<hbm>> -> memref<1x640xf32, #tpu.memory_space<hbm>>
      %dma_wait3A_24 = tpu.memref_squeeze %dma_wait3A : memref<1x640xf32, #tpu.memory_space<hbm>> -> memref<640xf32, #tpu.memory_space<hbm>>
      %dma_wait3A_25 = tpu.memref_slice %arg7[%mul3A_19] : memref<10240xf32, #tpu.memory_space<vmem_shared>> -> memref<640xf32, #tpu.memory_space<vmem_shared>>
      tpu.wait_dma2 semaphore(%run_scoped3A : memref<!tpu.dma_semaphore, #tpu.memory_space<semaphore_mem>>) src(%dma_wait3A_25 : memref<640xf32, #tpu.memory_space<vmem_shared>>) dst(%dma_wait3A_24 : memref<640xf32, #tpu.memory_space<hbm>>)
      tpu.yield
    }) : () -> ()
    return
  }
}

#map = affine_map<(d0, d1) -> (0, 0)>
#map1 = affine_map<(d0, d1) -> (0, 0, 0)>
module attributes {stable_mosaic.version = 14 : i64} {
  func.func @_agg_body(%arg0: i32, %arg1: i32, %arg2: memref<10240x128xf32, #tpu.memory_space<hbm>>, %arg3: memref<32x80x128xi32, #tpu.memory_space<hbm>>, %arg4: memref<32x80x128xi32, #tpu.memory_space<hbm>>, %arg5: memref<10240x128xf32, #tpu.memory_space<hbm>>, %arg6: memref<2x10240x128xf32, #tpu.memory_space<hbm>>, %arg7: memref<80x128xi32, #tpu.memory_space<vmem>>, %arg8: memref<80x128xi32, #tpu.memory_space<vmem>>, %arg9: memref<128x128xf32, #tpu.memory_space<vmem>>, %arg10: memref<128x128xf32, #tpu.memory_space<vmem>>, %arg11: memref<128x128xf32, #tpu.memory_space<vmem>>, %arg12: memref<128x128xf32, #tpu.memory_space<vmem>>, %arg13: memref<!tpu.dma_semaphore, #tpu.memory_space<semaphore_mem>>, %arg14: memref<!tpu.dma_semaphore, #tpu.memory_space<semaphore_mem>>, %arg15: memref<!tpu.dma_semaphore, #tpu.memory_space<semaphore_mem>>, %arg16: memref<!tpu.dma_semaphore, #tpu.memory_space<semaphore_mem>>, %arg17: memref<10240x128xf32, #tpu.memory_space<vmem_shared>>) attributes {dimension_semantics = [#tpu.dimension_semantics<core_parallel>, #tpu.dimension_semantics<subcore_parallel>], iteration_bounds = array<i64: 2, 16>, scalar_prefetch = 0 : i64, scratch_operands = 11 : i64, tpu.core_type = #tpu.core_type<sc_vector_subcore>, window_params = [{transform_indices = #map}, {transform_indices = #map1}, {transform_indices = #map1}, {transform_indices = #map}, {transform_indices = #map1}]} {
    %mul3A = arith.constant 16 : i32
    %mul3A_0 = arith.muli %arg0, %mul3A : i32
    %add3A = arith.addi %mul3A_0, %arg1 : i32
    %mul3A_1 = arith.constant 640 : i32
    %mul3A_2 = arith.muli %arg1, %mul3A_1 : i32
    %mul3A_3 = arith.constant 640 : i32
    %mul3A_4 = arith.muli %arg1, %mul3A_3 : i32
    "tpu.region"() ({
      %run_scoped3A = tpu.sem_alloc : memref<!tpu.dma_semaphore, #tpu.memory_space<semaphore_mem>>
      %dma_start3A = arith.constant 0 : i32
      %dma_start3A_14 = tpu.memref_slice %arg17[%mul3A_4, %dma_start3A] : memref<10240x128xf32, #tpu.memory_space<vmem_shared>> -> memref<640x128xf32, #tpu.memory_space<vmem_shared>>
      %dma_start3A_15 = arith.constant 0 : i32
      %dma_start3A_16 = tpu.memref_slice %arg5[%mul3A_2, %dma_start3A_15] : memref<10240x128xf32, #tpu.memory_space<hbm>> -> memref<640x128xf32, #tpu.memory_space<hbm>>
      tpu.enqueue_dma source(%dma_start3A_16 : memref<640x128xf32, #tpu.memory_space<hbm>>) target(%dma_start3A_14 : memref<640x128xf32, #tpu.memory_space<vmem_shared>>) target_semaphore(%run_scoped3A : memref<!tpu.dma_semaphore, #tpu.memory_space<semaphore_mem>>)
      %dma_wait3A = arith.constant 0 : i32
      %dma_wait3A_17 = tpu.memref_slice %arg17[%mul3A_4, %dma_wait3A] : memref<10240x128xf32, #tpu.memory_space<vmem_shared>> -> memref<640x128xf32, #tpu.memory_space<vmem_shared>>
      %dma_wait3A_18 = arith.constant 0 : i32
      %dma_wait3A_19 = tpu.memref_slice %arg5[%mul3A_2, %dma_wait3A_18] : memref<10240x128xf32, #tpu.memory_space<hbm>> -> memref<640x128xf32, #tpu.memory_space<hbm>>
      tpu.wait_dma2 semaphore(%run_scoped3A : memref<!tpu.dma_semaphore, #tpu.memory_space<semaphore_mem>>) src(%dma_wait3A_19 : memref<640x128xf32, #tpu.memory_space<hbm>>) dst(%dma_wait3A_17 : memref<640x128xf32, #tpu.memory_space<vmem_shared>>)
      tpu.yield
    }) : () -> ()
    "tpu.region"() ({
      %run_scoped3A = tpu.sem_alloc : memref<!tpu.dma_semaphore, #tpu.memory_space<semaphore_mem>>
      %dma_start3A = arith.constant 0 : i32
      %dma_start3A_14 = arith.constant 0 : i32
      %dma_start3A_15 = tpu.memref_slice %arg3[%add3A, %dma_start3A, %dma_start3A_14] : memref<32x80x128xi32, #tpu.memory_space<hbm>> -> memref<1x80x128xi32, #tpu.memory_space<hbm>>
      %dma_start3A_16 = tpu.memref_squeeze %dma_start3A_15 : memref<1x80x128xi32, #tpu.memory_space<hbm>> -> memref<80x128xi32, #tpu.memory_space<hbm>>
      %dma_start3A_17 = arith.constant 0 : i32
      %dma_start3A_18 = arith.constant 0 : i32
      %dma_start3A_19 = tpu.memref_slice %arg3[%add3A, %dma_start3A_17, %dma_start3A_18] : memref<32x80x128xi32, #tpu.memory_space<hbm>> -> memref<1x80x128xi32, #tpu.memory_space<hbm>>
      %dma_start3A_20 = tpu.memref_squeeze %dma_start3A_19 : memref<1x80x128xi32, #tpu.memory_space<hbm>> -> memref<80x128xi32, #tpu.memory_space<hbm>>
      tpu.enqueue_dma source(%dma_start3A_20 : memref<80x128xi32, #tpu.memory_space<hbm>>) target(%arg7 : memref<80x128xi32, #tpu.memory_space<vmem>>) target_semaphore(%run_scoped3A : memref<!tpu.dma_semaphore, #tpu.memory_space<semaphore_mem>>)
      %dma_wait3A = arith.constant 0 : i32
      %dma_wait3A_21 = arith.constant 0 : i32
      %dma_wait3A_22 = tpu.memref_slice %arg3[%add3A, %dma_wait3A, %dma_wait3A_21] : memref<32x80x128xi32, #tpu.memory_space<hbm>> -> memref<1x80x128xi32, #tpu.memory_space<hbm>>
      %dma_wait3A_23 = tpu.memref_squeeze %dma_wait3A_22 : memref<1x80x128xi32, #tpu.memory_space<hbm>> -> memref<80x128xi32, #tpu.memory_space<hbm>>
      %dma_wait3A_24 = arith.constant 0 : i32
      %dma_wait3A_25 = arith.constant 0 : i32
      %dma_wait3A_26 = tpu.memref_slice %arg3[%add3A, %dma_wait3A_24, %dma_wait3A_25] : memref<32x80x128xi32, #tpu.memory_space<hbm>> -> memref<1x80x128xi32, #tpu.memory_space<hbm>>
      %dma_wait3A_27 = tpu.memref_squeeze %dma_wait3A_26 : memref<1x80x128xi32, #tpu.memory_space<hbm>> -> memref<80x128xi32, #tpu.memory_space<hbm>>
      tpu.wait_dma2 semaphore(%run_scoped3A : memref<!tpu.dma_semaphore, #tpu.memory_space<semaphore_mem>>) src(%dma_wait3A_27 : memref<80x128xi32, #tpu.memory_space<hbm>>) dst(%arg7 : memref<80x128xi32, #tpu.memory_space<vmem>>)
      tpu.yield
    }) : () -> ()
    "tpu.region"() ({
      %run_scoped3A = tpu.sem_alloc : memref<!tpu.dma_semaphore, #tpu.memory_space<semaphore_mem>>
      %dma_start3A = arith.constant 0 : i32
      %dma_start3A_14 = arith.constant 0 : i32
      %dma_start3A_15 = tpu.memref_slice %arg4[%add3A, %dma_start3A, %dma_start3A_14] : memref<32x80x128xi32, #tpu.memory_space<hbm>> -> memref<1x80x128xi32, #tpu.memory_space<hbm>>
      %dma_start3A_16 = tpu.memref_squeeze %dma_start3A_15 : memref<1x80x128xi32, #tpu.memory_space<hbm>> -> memref<80x128xi32, #tpu.memory_space<hbm>>
      %dma_start3A_17 = arith.constant 0 : i32
      %dma_start3A_18 = arith.constant 0 : i32
      %dma_start3A_19 = tpu.memref_slice %arg4[%add3A, %dma_start3A_17, %dma_start3A_18] : memref<32x80x128xi32, #tpu.memory_space<hbm>> -> memref<1x80x128xi32, #tpu.memory_space<hbm>>
      %dma_start3A_20 = tpu.memref_squeeze %dma_start3A_19 : memref<1x80x128xi32, #tpu.memory_space<hbm>> -> memref<80x128xi32, #tpu.memory_space<hbm>>
      tpu.enqueue_dma source(%dma_start3A_20 : memref<80x128xi32, #tpu.memory_space<hbm>>) target(%arg8 : memref<80x128xi32, #tpu.memory_space<vmem>>) target_semaphore(%run_scoped3A : memref<!tpu.dma_semaphore, #tpu.memory_space<semaphore_mem>>)
      %dma_wait3A = arith.constant 0 : i32
      %dma_wait3A_21 = arith.constant 0 : i32
      %dma_wait3A_22 = tpu.memref_slice %arg4[%add3A, %dma_wait3A, %dma_wait3A_21] : memref<32x80x128xi32, #tpu.memory_space<hbm>> -> memref<1x80x128xi32, #tpu.memory_space<hbm>>
      %dma_wait3A_23 = tpu.memref_squeeze %dma_wait3A_22 : memref<1x80x128xi32, #tpu.memory_space<hbm>> -> memref<80x128xi32, #tpu.memory_space<hbm>>
      %dma_wait3A_24 = arith.constant 0 : i32
      %dma_wait3A_25 = arith.constant 0 : i32
      %dma_wait3A_26 = tpu.memref_slice %arg4[%add3A, %dma_wait3A_24, %dma_wait3A_25] : memref<32x80x128xi32, #tpu.memory_space<hbm>> -> memref<1x80x128xi32, #tpu.memory_space<hbm>>
      %dma_wait3A_27 = tpu.memref_squeeze %dma_wait3A_26 : memref<1x80x128xi32, #tpu.memory_space<hbm>> -> memref<80x128xi32, #tpu.memory_space<hbm>>
      tpu.wait_dma2 semaphore(%run_scoped3A : memref<!tpu.dma_semaphore, #tpu.memory_space<semaphore_mem>>) src(%dma_wait3A_27 : memref<80x128xi32, #tpu.memory_space<hbm>>) dst(%arg8 : memref<80x128xi32, #tpu.memory_space<vmem>>)
      tpu.yield
    }) : () -> ()
    %barrier3A = arith.constant 0 : index
    tpu.barrier barrier_id(%barrier3A)
    %scan3A = arith.constant 0 : i32
    %scan3A_5 = arith.constant 80 : i32
    %scan3A_6 = arith.addi %scan3A, %scan3A_5 : i32
    %scan3A_7 = arith.constant 1 : i32
    scf.for %scan3A_14 = %scan3A to %scan3A_6 step %scan3A_7  : i32 {
      %mul3A_15 = arith.constant 1 : i32
      %mul3A_16 = arith.muli %scan3A_14, %mul3A_15 : i32
      %add3A_17 = arith.constant 0 : i32
      %add3A_18 = arith.addi %add3A_17, %mul3A_16 : i32
      "tpu.region"() ({
        %run_scoped3A = tpu.sem_alloc : memref<!tpu.dma_semaphore, #tpu.memory_space<semaphore_mem>>
        %dma_start3A = arith.constant 0 : i32
        %dma_start3A_19 = tpu.memref_slice %arg8[%add3A_18, %dma_start3A] : memref<80x128xi32, #tpu.memory_space<vmem>> -> memref<1x128xi32, #tpu.memory_space<vmem>>
        %dma_start3A_20 = tpu.memref_squeeze %dma_start3A_19 : memref<1x128xi32, #tpu.memory_space<vmem>> -> memref<128xi32, #tpu.memory_space<vmem>>
        %dma_start3A_21 = arith.constant 0 : i32
        %dma_start3A_22 = arith.constant 0 : i32
        %dma_start3A_23 = tpu.memref_slice %arg17[%dma_start3A_21, %dma_start3A_22] : memref<10240x128xf32, #tpu.memory_space<vmem_shared>> -> memref<10240x128xf32, #tpu.memory_space<vmem_shared>>
        tpu.enqueue_indirect_dma source(%arg9 : memref<128x128xf32, #tpu.memory_space<vmem>>) target(%dma_start3A_23 : memref<10240x128xf32, #tpu.memory_space<vmem_shared>>) offsets(%dma_start3A_20 : memref<128xi32, #tpu.memory_space<vmem>>) semaphore(%run_scoped3A : memref<!tpu.dma_semaphore, #tpu.memory_space<semaphore_mem>>) {add = true}
        %dma_wait3A = arith.constant 0 : i32
        %dma_wait3A_24 = tpu.memref_slice %arg8[%add3A_18, %dma_wait3A] : memref<80x128xi32, #tpu.memory_space<vmem>> -> memref<1x128xi32, #tpu.memory_space<vmem>>
        %dma_wait3A_25 = tpu.memref_squeeze %dma_wait3A_24 : memref<1x128xi32, #tpu.memory_space<vmem>> -> memref<128xi32, #tpu.memory_space<vmem>>
        %dma_wait3A_26 = arith.constant 0 : i32
        %dma_wait3A_27 = arith.constant 0 : i32
        %dma_wait3A_28 = tpu.memref_slice %arg17[%dma_wait3A_26, %dma_wait3A_27] : memref<10240x128xf32, #tpu.memory_space<vmem_shared>> -> memref<10240x128xf32, #tpu.memory_space<vmem_shared>>
        tpu.wait_indirect_dma semaphore(%run_scoped3A : memref<!tpu.dma_semaphore, #tpu.memory_space<semaphore_mem>>) src(%arg9 : memref<128x128xf32, #tpu.memory_space<vmem>>) dst(%dma_wait3A_28 : memref<10240x128xf32, #tpu.memory_space<vmem_shared>>)
        tpu.yield
      }) : () -> ()
    }
    %scan3A_8 = arith.constant 80 : i32
    %barrier3A_9 = arith.constant 0 : index
    tpu.barrier barrier_id(%barrier3A_9)
    %mul3A_10 = arith.constant 640 : i32
    %mul3A_11 = arith.muli %arg1, %mul3A_10 : i32
    %mul3A_12 = arith.constant 640 : i32
    %mul3A_13 = arith.muli %arg1, %mul3A_12 : i32
    "tpu.region"() ({
      %run_scoped3A = tpu.sem_alloc : memref<!tpu.dma_semaphore, #tpu.memory_space<semaphore_mem>>
      %dma_start3A = arith.constant 0 : i32
      %dma_start3A_14 = tpu.memref_slice %arg6[%arg0, %mul3A_13, %dma_start3A] : memref<2x10240x128xf32, #tpu.memory_space<hbm>> -> memref<1x640x128xf32, #tpu.memory_space<hbm>>
      %dma_start3A_15 = tpu.memref_squeeze %dma_start3A_14 : memref<1x640x128xf32, #tpu.memory_space<hbm>> -> memref<640x128xf32, #tpu.memory_space<hbm>>
      %dma_start3A_16 = arith.constant 0 : i32
      %dma_start3A_17 = tpu.memref_slice %arg17[%mul3A_11, %dma_start3A_16] : memref<10240x128xf32, #tpu.memory_space<vmem_shared>> -> memref<640x128xf32, #tpu.memory_space<vmem_shared>>
      tpu.enqueue_dma source(%dma_start3A_17 : memref<640x128xf32, #tpu.memory_space<vmem_shared>>) target(%dma_start3A_15 : memref<640x128xf32, #tpu.memory_space<hbm>>) target_semaphore(%run_scoped3A : memref<!tpu.dma_semaphore, #tpu.memory_space<semaphore_mem>>)
      %dma_wait3A = arith.constant 0 : i32
      %dma_wait3A_18 = tpu.memref_slice %arg6[%arg0, %mul3A_13, %dma_wait3A] : memref<2x10240x128xf32, #tpu.memory_space<hbm>> -> memref<1x640x128xf32, #tpu.memory_space<hbm>>
      %dma_wait3A_19 = tpu.memref_squeeze %dma_wait3A_18 : memref<1x640x128xf32, #tpu.memory_space<hbm>> -> memref<640x128xf32, #tpu.memory_space<hbm>>
      %dma_wait3A_20 = arith.constant 0 : i32
      %dma_wait3A_21 = tpu.memref_slice %arg17[%mul3A_11, %dma_wait3A_20] : memref<10240x128xf32, #tpu.memory_space<vmem_shared>> -> memref<640x128xf32, #tpu.memory_space<vmem_shared>>
      tpu.wait_dma2 semaphore(%run_scoped3A : memref<!tpu.dma_semaphore, #tpu.memory_space<semaphore_mem>>) src(%dma_wait3A_21 : memref<640x128xf32, #tpu.memory_space<vmem_shared>>) dst(%dma_wait3A_19 : memref<640x128xf32, #tpu.memory_space<hbm>>)
      tpu.yield
    }) : () -> ()
    return
  }
}

module attributes {stable_mosaic.version = 14 : i64} {
  func.func @_mm_scale_body(%arg0: i32, %arg1: memref<1280x2xf32, #tpu.memory_space<vmem>>, %arg2: memref<1280x128xf32, #tpu.memory_space<vmem>>, %arg3: memref<128x128xf32, #tpu.memory_space<vmem>>, %arg4: memref<1280x128xf32, #tpu.memory_space<vmem>>) attributes {dimension_semantics = [#tpu.dimension_semantics<arbitrary>], iteration_bounds = array<i64: 8>, scalar_prefetch = 0 : i64, scratch_operands = 0 : i64, tpu.core_type = #tpu.core_type<tc>, window_params = [{transform_indices = @transform_0, window_bounds = array<i64: 1280, 2>}, {transform_indices = @transform_1, window_bounds = array<i64: 1280, 128>}, {pipeline_mode = #tpu.pipeline_mode<synchronous>, transform_indices = @transform_2, window_bounds = array<i64: 128, 128>}, {transform_indices = @transform_3, window_bounds = array<i64: 1280, 128>}]} {
    %get3A = arith.constant 0 : index
    %get3A_0 = arith.constant 0 : index
    %get3A_1 = vector.load %arg1[%get3A, %get3A_0] : memref<1280x2xf32, #tpu.memory_space<vmem>>, vector<1280x2xf32>
    %slice3A = vector.extract_strided_slice %get3A_1 {offsets = [0, 0], sizes = [1280, 1], strides = [1, 1]} : vector<1280x2xf32> to vector<1280x1xf32>
    %slice3A_2 = vector.extract_strided_slice %get3A_1 {offsets = [0, 1], sizes = [1280, 1], strides = [1, 1]} : vector<1280x2xf32> to vector<1280x1xf32>
    %add3A = arith.addf %slice3A, %slice3A_2 : vector<1280x1xf32>
    %add3A_3 = arith.constant 1.000000e+00 : f32
    %add3A_4 = vector.broadcast %add3A_3 : f32 to vector<1280x1xf32>
    %add3A_5 = arith.addf %add3A, %add3A_4 : vector<1280x1xf32>
    %rsqrt3A = math.rsqrt %add3A_5 : vector<1280x1xf32>
    %get3A_6 = arith.constant 0 : index
    %get3A_7 = arith.constant 0 : index
    %get3A_8 = vector.load %arg2[%get3A_6, %get3A_7] : memref<1280x128xf32, #tpu.memory_space<vmem>>, vector<1280x128xf32>
    %get3A_9 = arith.constant 0 : index
    %get3A_10 = arith.constant 0 : index
    %get3A_11 = vector.load %arg3[%get3A_9, %get3A_10] : memref<128x128xf32, #tpu.memory_space<vmem>>, vector<128x128xf32>
    %dot_general3A = arith.constant dense<0.000000e+00> : vector<1280x128xf32>
    %dot_general3A_12 = tpu.matmul %get3A_8, %get3A_11, %dot_general3A {dimension_numbers = #tpu.dot_dimension_numbers<[1], [0], [0], [1], [0, 0, 1, 1], [], []>, precision = #tpu.contract_precision<fp32>, transpose_lhs_hint = false} : vector<1280x128xf32>, vector<128x128xf32>, vector<1280x128xf32> -> vector<1280x128xf32>
    %mul3A = vector.broadcast %rsqrt3A : vector<1280x1xf32> to vector<1280x128xf32>
    %mul3A_13 = arith.mulf %dot_general3A_12, %mul3A : vector<1280x128xf32>
    %swap3A = arith.constant 0 : index
    %swap3A_14 = arith.constant 0 : index
    %swap3A_15 = vector.load %arg4[%swap3A, %swap3A_14] : memref<1280x128xf32, #tpu.memory_space<vmem>>, vector<1280x128xf32>
    tpu.vector_store %arg4[%swap3A, %swap3A_14], %mul3A_13 {strides = array<i32>} : memref<1280x128xf32, #tpu.memory_space<vmem>>, vector<1280x128xf32>,
    return
  }
  func.func @transform_0(%arg0: i32) -> (i32, i32) {
    %c0_i32 = arith.constant 0 : i32
    %c0_i32_0 = arith.constant 0 : i32
    return %arg0, %c0_i32 : i32, i32
  }
  func.func @transform_1(%arg0: i32) -> (i32, i32) {
    %c0_i32 = arith.constant 0 : i32
    %c0_i32_0 = arith.constant 0 : i32
    return %arg0, %c0_i32 : i32, i32
  }
  func.func @transform_2(%arg0: i32) -> (i32, i32) {
    %c0_i32 = arith.constant 0 : i32
    %c0_i32_0 = arith.constant 0 : i32
    %c0_i32_1 = arith.constant 0 : i32
    return %c0_i32, %c0_i32_0 : i32, i32
  }
  func.func @transform_3(%arg0: i32) -> (i32, i32) {
    %c0_i32 = arith.constant 0 : i32
    %c0_i32_0 = arith.constant 0 : i32
    return %arg0, %c0_i32 : i32, i32
  }
}

module attributes {stable_mosaic.version = 14 : i64} {
  func.func @_layer_body(%arg0: i32, %arg1: memref<1280x2xf32, #tpu.memory_space<vmem>>, %arg2: memref<2x1280x128xf32, #tpu.memory_space<vmem>>, %arg3: memref<1280x128xf32, #tpu.memory_space<vmem>>, %arg4: memref<128x128xf32, #tpu.memory_space<vmem>>, %arg5: memref<1x128xf32, #tpu.memory_space<vmem>>, %arg6: memref<1280x128xf32, #tpu.memory_space<vmem>>) attributes {dimension_semantics = [#tpu.dimension_semantics<arbitrary>], iteration_bounds = array<i64: 8>, scalar_prefetch = 0 : i64, scratch_operands = 0 : i64, tpu.core_type = #tpu.core_type<tc>, window_params = [{transform_indices = @transform_0, window_bounds = array<i64: 1280, 2>}, {transform_indices = @transform_1, window_bounds = array<i64: 2, 1280, 128>}, {transform_indices = @transform_2, window_bounds = array<i64: 1280, 128>}, {pipeline_mode = #tpu.pipeline_mode<synchronous>, transform_indices = @transform_3, window_bounds = array<i64: 128, 128>}, {pipeline_mode = #tpu.pipeline_mode<synchronous>, transform_indices = @transform_4, window_bounds = array<i64: 1, 128>}, {transform_indices = @transform_5, window_bounds = array<i64: 1280, 128>}]} {
    %get3A = arith.constant 0 : index
    %get3A_0 = arith.constant 0 : index
    %get3A_1 = vector.load %arg1[%get3A, %get3A_0] : memref<1280x2xf32, #tpu.memory_space<vmem>>, vector<1280x2xf32>
    %slice3A = vector.extract_strided_slice %get3A_1 {offsets = [0, 0], sizes = [1280, 1], strides = [1, 1]} : vector<1280x2xf32> to vector<1280x1xf32>
    %slice3A_2 = vector.extract_strided_slice %get3A_1 {offsets = [0, 1], sizes = [1280, 1], strides = [1, 1]} : vector<1280x2xf32> to vector<1280x1xf32>
    %add3A = arith.addf %slice3A, %slice3A_2 : vector<1280x1xf32>
    %add3A_3 = arith.constant 1.000000e+00 : f32
    %add3A_4 = vector.broadcast %add3A_3 : f32 to vector<1280x1xf32>
    %add3A_5 = arith.addf %add3A, %add3A_4 : vector<1280x1xf32>
    %rsqrt3A = math.rsqrt %add3A_5 : vector<1280x1xf32>
    %get3A_6 = arith.constant 0 : index
    %get3A_7 = arith.constant 0 : index
    %get3A_8 = arith.constant 0 : index
    %get3A_9 = vector.load %arg2[%get3A_6, %get3A_7, %get3A_8] : memref<2x1280x128xf32, #tpu.memory_space<vmem>>, vector<1x1280x128xf32>
    %get3A_10 = vector.shape_cast %get3A_9 : vector<1x1280x128xf32> to vector<1280x128xf32>
    %get3A_11 = arith.constant 1 : index
    %get3A_12 = arith.constant 0 : index
    %get3A_13 = arith.constant 0 : index
    %get3A_14 = vector.load %arg2[%get3A_11, %get3A_12, %get3A_13] : memref<2x1280x128xf32, #tpu.memory_space<vmem>>, vector<1x1280x128xf32>
    %get3A_15 = vector.shape_cast %get3A_14 : vector<1x1280x128xf32> to vector<1280x128xf32>
    %add3A_16 = arith.addf %get3A_10, %get3A_15 : vector<1280x128xf32>
    %get3A_17 = arith.constant 0 : index
    %get3A_18 = arith.constant 0 : index
    %get3A_19 = vector.load %arg3[%get3A_17, %get3A_18] : memref<1280x128xf32, #tpu.memory_space<vmem>>, vector<1280x128xf32>
    %add3A_20 = arith.addf %add3A_16, %get3A_19 : vector<1280x128xf32>
    %mul3A = vector.broadcast %rsqrt3A : vector<1280x1xf32> to vector<1280x128xf32>
    %mul3A_21 = arith.mulf %add3A_20, %mul3A : vector<1280x128xf32>
    %get3A_22 = arith.constant 0 : index
    %get3A_23 = arith.constant 0 : index
    %get3A_24 = vector.load %arg5[%get3A_22, %get3A_23] : memref<1x128xf32, #tpu.memory_space<vmem>>, vector<1x128xf32>
    %add3A_25 = vector.broadcast %get3A_24 : vector<1x128xf32> to vector<1280x128xf32>
    %add3A_26 = arith.addf %mul3A_21, %add3A_25 : vector<1280x128xf32>
    %max3A = arith.constant 0.000000e+00 : f32
    %max3A_27 = vector.broadcast %max3A : f32 to vector<1280x128xf32>
    %max3A_28 = arith.maximumf %add3A_26, %max3A_27 : vector<1280x128xf32>
    %get3A_29 = arith.constant 0 : index
    %get3A_30 = arith.constant 0 : index
    %get3A_31 = vector.load %arg4[%get3A_29, %get3A_30] : memref<128x128xf32, #tpu.memory_space<vmem>>, vector<128x128xf32>
    %dot_general3A = arith.constant dense<0.000000e+00> : vector<1280x128xf32>
    %dot_general3A_32 = tpu.matmul %max3A_28, %get3A_31, %dot_general3A {dimension_numbers = #tpu.dot_dimension_numbers<[1], [0], [0], [1], [0, 0, 1, 1], [], []>, precision = #tpu.contract_precision<fp32>, transpose_lhs_hint = false} : vector<1280x128xf32>, vector<128x128xf32>, vector<1280x128xf32> -> vector<1280x128xf32>
    %mul3A_33 = vector.broadcast %rsqrt3A : vector<1280x1xf32> to vector<1280x128xf32>
    %mul3A_34 = arith.mulf %dot_general3A_32, %mul3A_33 : vector<1280x128xf32>
    %swap3A = arith.constant 0 : index
    %swap3A_35 = arith.constant 0 : index
    %swap3A_36 = vector.load %arg6[%swap3A, %swap3A_35] : memref<1280x128xf32, #tpu.memory_space<vmem>>, vector<1280x128xf32>
    tpu.vector_store %arg6[%swap3A, %swap3A_35], %mul3A_34 {strides = array<i32>} : memref<1280x128xf32, #tpu.memory_space<vmem>>, vector<1280x128xf32>,
    return
  }
  func.func @transform_0(%arg0: i32) -> (i32, i32) {
    %c0_i32 = arith.constant 0 : i32
    %c0_i32_0 = arith.constant 0 : i32
    return %arg0, %c0_i32 : i32, i32
  }
  func.func @transform_1(%arg0: i32) -> (i32, i32, i32) {
    %c0_i32 = arith.constant 0 : i32
    %c0_i32_0 = arith.constant 0 : i32
    %c0_i32_1 = arith.constant 0 : i32
    return %c0_i32, %arg0, %c0_i32_0 : i32, i32, i32
  }
  func.func @transform_2(%arg0: i32) -> (i32, i32) {
    %c0_i32 = arith.constant 0 : i32
    %c0_i32_0 = arith.constant 0 : i32
    return %arg0, %c0_i32 : i32, i32
  }
  func.func @transform_3(%arg0: i32) -> (i32, i32) {
    %c0_i32 = arith.constant 0 : i32
    %c0_i32_0 = arith.constant 0 : i32
    %c0_i32_1 = arith.constant 0 : i32
    return %c0_i32, %c0_i32_0 : i32, i32
  }
  func.func @transform_4(%arg0: i32) -> (i32, i32) {
    %c0_i32 = arith.constant 0 : i32
    %c0_i32_0 = arith.constant 0 : i32
    %c0_i32_1 = arith.constant 0 : i32
    return %c0_i32, %c0_i32_0 : i32, i32
  }
  func.func @transform_5(%arg0: i32) -> (i32, i32) {
    %c0_i32 = arith.constant 0 : i32
    %c0_i32_0 = arith.constant 0 : i32
    return %arg0, %c0_i32 : i32, i32
  }
}

module attributes {stable_mosaic.version = 14 : i64} {
  func.func @_final_body(%arg0: i32, %arg1: memref<1280x2xf32, #tpu.memory_space<vmem>>, %arg2: memref<2x1280x128xf32, #tpu.memory_space<vmem>>, %arg3: memref<1280x128xf32, #tpu.memory_space<vmem>>, %arg4: memref<1x128xf32, #tpu.memory_space<vmem>>, %arg5: memref<1280x128xf32, #tpu.memory_space<vmem>>) attributes {dimension_semantics = [#tpu.dimension_semantics<arbitrary>], iteration_bounds = array<i64: 8>, scalar_prefetch = 0 : i64, scratch_operands = 0 : i64, tpu.core_type = #tpu.core_type<tc>, window_params = [{transform_indices = @transform_0, window_bounds = array<i64: 1280, 2>}, {transform_indices = @transform_1, window_bounds = array<i64: 2, 1280, 128>}, {transform_indices = @transform_2, window_bounds = array<i64: 1280, 128>}, {pipeline_mode = #tpu.pipeline_mode<synchronous>, transform_indices = @transform_3, window_bounds = array<i64: 1, 128>}, {transform_indices = @transform_4, window_bounds = array<i64: 1280, 128>}]} {
    %get3A = arith.constant 0 : index
    %get3A_0 = arith.constant 0 : index
    %get3A_1 = vector.load %arg1[%get3A, %get3A_0] : memref<1280x2xf32, #tpu.memory_space<vmem>>, vector<1280x2xf32>
    %slice3A = vector.extract_strided_slice %get3A_1 {offsets = [0, 0], sizes = [1280, 1], strides = [1, 1]} : vector<1280x2xf32> to vector<1280x1xf32>
    %slice3A_2 = vector.extract_strided_slice %get3A_1 {offsets = [0, 1], sizes = [1280, 1], strides = [1, 1]} : vector<1280x2xf32> to vector<1280x1xf32>
    %add3A = arith.addf %slice3A, %slice3A_2 : vector<1280x1xf32>
    %add3A_3 = arith.constant 1.000000e+00 : f32
    %add3A_4 = vector.broadcast %add3A_3 : f32 to vector<1280x1xf32>
    %add3A_5 = arith.addf %add3A, %add3A_4 : vector<1280x1xf32>
    %rsqrt3A = math.rsqrt %add3A_5 : vector<1280x1xf32>
    %get3A_6 = arith.constant 0 : index
    %get3A_7 = arith.constant 0 : index
    %get3A_8 = arith.constant 0 : index
    %get3A_9 = vector.load %arg2[%get3A_6, %get3A_7, %get3A_8] : memref<2x1280x128xf32, #tpu.memory_space<vmem>>, vector<1x1280x128xf32>
    %get3A_10 = vector.shape_cast %get3A_9 : vector<1x1280x128xf32> to vector<1280x128xf32>
    %get3A_11 = arith.constant 1 : index
    %get3A_12 = arith.constant 0 : index
    %get3A_13 = arith.constant 0 : index
    %get3A_14 = vector.load %arg2[%get3A_11, %get3A_12, %get3A_13] : memref<2x1280x128xf32, #tpu.memory_space<vmem>>, vector<1x1280x128xf32>
    %get3A_15 = vector.shape_cast %get3A_14 : vector<1x1280x128xf32> to vector<1280x128xf32>
    %add3A_16 = arith.addf %get3A_10, %get3A_15 : vector<1280x128xf32>
    %get3A_17 = arith.constant 0 : index
    %get3A_18 = arith.constant 0 : index
    %get3A_19 = vector.load %arg3[%get3A_17, %get3A_18] : memref<1280x128xf32, #tpu.memory_space<vmem>>, vector<1280x128xf32>
    %add3A_20 = arith.addf %add3A_16, %get3A_19 : vector<1280x128xf32>
    %mul3A = vector.broadcast %rsqrt3A : vector<1280x1xf32> to vector<1280x128xf32>
    %mul3A_21 = arith.mulf %add3A_20, %mul3A : vector<1280x128xf32>
    %get3A_22 = arith.constant 0 : index
    %get3A_23 = arith.constant 0 : index
    %get3A_24 = vector.load %arg4[%get3A_22, %get3A_23] : memref<1x128xf32, #tpu.memory_space<vmem>>, vector<1x128xf32>
    %add3A_25 = vector.broadcast %get3A_24 : vector<1x128xf32> to vector<1280x128xf32>
    %add3A_26 = arith.addf %mul3A_21, %add3A_25 : vector<1280x128xf32>
    %max3A = arith.constant 0.000000e+00 : f32
    %max3A_27 = vector.broadcast %max3A : f32 to vector<1280x128xf32>
    %max3A_28 = arith.maximumf %add3A_26, %max3A_27 : vector<1280x128xf32>
    %swap3A = arith.constant 0 : index
    %swap3A_29 = arith.constant 0 : index
    %swap3A_30 = vector.load %arg5[%swap3A, %swap3A_29] : memref<1280x128xf32, #tpu.memory_space<vmem>>, vector<1280x128xf32>
    tpu.vector_store %arg5[%swap3A, %swap3A_29], %max3A_28 {strides = array<i32>} : memref<1280x128xf32, #tpu.memory_space<vmem>>, vector<1280x128xf32>,
    return
  }
  func.func @transform_0(%arg0: i32) -> (i32, i32) {
    %c0_i32 = arith.constant 0 : i32
    %c0_i32_0 = arith.constant 0 : i32
    return %arg0, %c0_i32 : i32, i32
  }
  func.func @transform_1(%arg0: i32) -> (i32, i32, i32) {
    %c0_i32 = arith.constant 0 : i32
    %c0_i32_0 = arith.constant 0 : i32
    %c0_i32_1 = arith.constant 0 : i32
    return %c0_i32, %arg0, %c0_i32_0 : i32, i32, i32
  }
  func.func @transform_2(%arg0: i32) -> (i32, i32) {
    %c0_i32 = arith.constant 0 : i32
    %c0_i32_0 = arith.constant 0 : i32
    return %arg0, %c0_i32 : i32, i32
  }
  func.func @transform_3(%arg0: i32) -> (i32, i32) {
    %c0_i32 = arith.constant 0 : i32
    %c0_i32_0 = arith.constant 0 : i32
    %c0_i32_1 = arith.constant 0 : i32
    return %c0_i32, %c0_i32_0 : i32, i32
  }
  func.func @transform_4(%arg0: i32) -> (i32, i32) {
    %c0_i32 = arith.constant 0 : i32
    %c0_i32_0 = arith.constant 0 : i32
    return %arg0, %c0_i32 : i32, i32
  }
}

</mosaic_0001>

<sc_bundles>
// kernel: kernel.11.cloned.1.call-start
scs
__scs_entry_jumppad:
0x0: {  	(pc) =	sbr.rel $0x88, $3  }
0x1: {  	(tag) =	ssettag $0x0;
	lr =	simm.s32 $0x1  }
0x2: {  	[smem:$0x3F9D] =	sst lr;
	_ =	strace $0xD0000000  }
0x3: {  	_ = 	snop  }
0x4: {  	_ = 	snop  }
0x5: {  	_ = 	snop  }
0x6: {  	_ = 	snop  }
0x7: {  	_ = 	snop  }
__scs_overlays_trampoline_lowered:
0x8: {  	[smem:$0x3FAC] =	sst s0  }
0x9: {  	[smem:$0x3FAD] =	sst s1  }
0xa: {  	[smem:$0x3FAE] =	sst s2  }
0xb: {  	[smem:$0x3FAF] =	sst s3  }
0xc: {  	[smem:$0x3FB0] =	sst s4  }
0xd: {  	[smem:$0x3FB1] =	sst s5  }
0xe: {  	[smem:$0x3FB2] =	sst s6  }
0xf: {  	[smem:$0x3FB3] =	sst s7  }
0x10: {  	[smem:$0x3FB4] =	sst s8  }
0x11: {  	[smem:$0x3FB5] =	sst s9;
	s0 =	simm.s32 @!p0 $0x0  }
0x12: {  	s1 =	sld [smem:$0x3F9B];
	s0 =	simm.s32 @p0 $0x1  }
0x13: {  	[smem:$0x3FB6] =	sst s0;
	s0 =	simm.s32 @!p1 $0x0  }
0x14: {  	s2 =	sld [smem:$0x3F9A];
	s0 =	simm.s32 @p1 $0x1  }
0x15: {  	[smem:$0x3FB7] =	sst s0;
	s0 =	simm.s32 @!p2 $0x0  }
0x16: {  	s3 =	sld [smem:$0x3FDB];
	s0 =	simm.s32 @p2 $0x1  }
0x17: {  	s4 =	simm.s32 $0x1BF5;
	[smem:$0x3FB9] =	sst s0  }
0x18: {  	s0 =	sld [smem:$0x3F9C];
	_ =	swait.ge [sflag:s4], $0x0  }
0x19: {  	s7 =	sld [smem:$0x3F9D]  }
0x1a: {  	s8 =	sadd.s32 $0xFFFFE003, lr  }
0x1b: {  	s9 =	sadd.s32 $0xFFFFFEF7, lr;
	s5 =	simm.s32 $0xFFFFFFFF;
	p2 =	slt.u32 s8, $0xFFFFF086  }
0x1c: {  	p1 =	slt.u32 s9, $0xF7A;
	s5 =	simm.s32 @!p2 $0x0  }
0x1d: {  	s5 =	simm.s32 @p1 $0x1;
	p0 =	seq.s32 s7, s2  }
0x1e: {  	s7 =	smul.u32 @!p0 $0xF7A, s2;
	p2 =	seq.s32 @!p0 s5, $0x0  }
0x1f: {  	s9 =	smul.u32 $0xF7A, s1;
	s8 =	simm.s32 @!p0 $0x1BF5;
	p2 =	por !p2, p0  }
0x20: {  	[sflag:s8] =	ssyncset.s32 @!p0 $0xFFFFF086;
	s6 =	sadd.s32 @!p0 s3, s7;
	s7 =	simm.s32 @!p0 $0x108  }
0x21: {  	s3 =	sadd.s32 s3, s9;
	s6 =	sadd.s32 @!p0 $0x88, s6;
	s7 =	simm.s32 @p2 $0x1082  }
0x22: {  	[simem:s7], [sflag:s8] =	dma.local @!p0 [hbm:s6], $0xF7A  }
0x23: {  	s9 =	sor.u32 $0xD0000000, s2;
	s6 =	simm.s32 $0x108;
	_ =	swait.ge @!p0 [sflag:s8], $0x0  }
0x24: {  	s3 =	sadd.s32 $0x88, s3;
	s6 =	simm.s32 @!p1 $0x1082;
	[sflag:s4] =	ssyncset.s32 $0xFFFFF086  }
0x25: {  	[simem:s6], [sflag:s4] =	dma.local [hbm:s3], $0xF7A  }
0x26: {  	[smem:$0x3F9D] =	sst s1;
	(tag) =	ssettag s2;
	_ =	strace s9  }
0x27: {  	s1 =	sld [smem:$0x3FAD]  }
0x28: {  	s2 =	sld [smem:$0x3FAE]  }
0x29: {  	s4 =	sld [smem:$0x3FB0]  }
0x2a: {  	p0 =	seq.s32 s5, $0x0;
	s5 =	sld [smem:$0x3FB1]  }
0x2b: {  	s6 =	sld [smem:$0x3FB2]  }
0x2c: {  	s7 =	sld [smem:$0x3FB3]  }
0x2d: {  	s3 =	simm.s32 $0x108;
	s8 =	sld [smem:$0x3FB4]  }
0x2e: {  	s3 =	simm.s32 @!p0 $0x1082;
	s9 =	sld [smem:$0x3FB5]  }
0x2f: {  	lr =	sadd.s32 s0, s3;
	s0 =	sld [smem:$0x3FAC]  }
0x30: {  	s3 =	sld [smem:$0x3FAF]  }
0x31: {  	[smem:$0x3FB8] =	sst s10  }
0x32: {  	s10 =	sld [smem:$0x3FB6];
	_ =	sdelay $0x3  }
0x33: {  	p0 =	seq.s32 s10, $0x1;
	s10 =	sld [smem:$0x3FB8];
	_ =	sdelay $0x3  }
0x34: {  	[smem:$0x3FB8] =	sst s10  }
0x35: {  	s10 =	sld [smem:$0x3FB7];
	_ =	sdelay $0x3  }
0x36: {  	p1 =	seq.s32 s10, $0x1;
	s10 =	sld [smem:$0x3FB8];
	_ =	sdelay $0x3  }
0x37: {  	[smem:$0x3FB8] =	sst s10  }
0x38: {  	s10 =	sld [smem:$0x3FB9]  }
0x39: {  	_ = 	snop;
	(pc) =	sbr.ind lr, $3  }
0x3a: {  	_ = 	snop  }
0x3b: {  	_ = 	snop  }
0x3c: {  	p2 =	seq.s32 s10, $0x1;
	s10 =	sld [smem:$0x3FB8]  }
0x3d: {  	_ =	shalt  }
0x3e: {  	_ =	shalt  }
0x3f: {  	_ =	shalt  }
0x40: {  	_ =	shalt  }
0x41: {  	_ =	shalt  }
0x42: {  	_ =	shalt  }
0x43: {  	_ =	shalt  }
0x44: {  	_ =	shalt  }
0x45: {  	_ =	shalt  }
0x46: {  	_ =	shalt  }
0x47: {  	_ =	shalt  }
0x48: {  	_ =	shalt  }
0x49: {  	_ =	shalt  }
0x4a: {  	_ =	shalt  }
0x4b: {  	_ =	shalt  }
0x4c: {  	_ =	shalt  }
0x4d: {  	_ =	shalt  }
0x4e: {  	_ =	shalt  }
0x4f: {  	_ =	shalt  }
0x50: {  	_ =	shalt  }
0x51: {  	_ =	shalt  }
0x52: {  	_ =	shalt  }
0x53: {  	_ =	shalt  }
0x54: {  	_ =	shalt  }
0x55: {  	_ =	shalt  }
0x56: {  	_ =	shalt  }
0x57: {  	_ =	shalt  }
0x58: {  	_ =	shalt  }
0x59: {  	_ =	shalt  }
0x5a: {  	_ =	shalt  }
0x5b: {  	_ =	shalt  }
0x5c: {  	_ =	shalt  }
0x5d: {  	_ =	shalt  }
0x5e: {  	_ =	shalt  }
0x5f: {  	_ =	shalt  }
0x60: {  	_ =	shalt  }
0x61: {  	_ =	shalt  }
0x62: {  	_ =	shalt  }
0x63: {  	_ =	shalt  }
0x64: {  	_ =	shalt  }
0x65: {  	_ =	shalt  }
0x66: {  	_ =	shalt  }
0x67: {  	_ =	shalt  }
0x68: {  	_ =	shalt  }
0x69: {  	_ =	shalt  }
0x6a: {  	_ =	shalt  }
0x6b: {  	_ =	shalt  }
0x6c: {  	_ =	shalt  }
0x6d: {  	_ =	shalt  }
0x6e: {  	_ =	shalt  }
0x6f: {  	_ =	shalt  }
0x70: {  	_ =	shalt  }
0x71: {  	_ =	shalt  }
0x72: {  	_ =	shalt  }
0x73: {  	_ =	shalt  }
0x74: {  	_ =	shalt  }
0x75: {  	_ =	shalt  }
0x76: {  	_ =	shalt  }
0x77: {  	_ =	shalt  }
0x78: {  	_ =	shalt  }
0x79: {  	_ =	shalt  }
0x7a: {  	_ =	shalt  }
0x7b: {  	_ =	shalt  }
0x7c: {  	_ =	shalt  }
0x7d: {  	_ =	shalt  }
0x7e: {  	_ =	shalt  }
0x7f: {  	_ =	shalt  }
0x80: {  	_ =	shalt  }
0x81: {  	_ =	shalt  }
0x82: {  	_ =	shalt  }
0x83: {  	_ =	shalt  }
0x84: {  	_ =	shalt  }
0x85: {  	_ =	shalt  }
0x86: {  	_ =	shalt  }
0x87: {  	_ =	shalt  }
.Lfunc_end0:
.L_simem_size_0:
called_computation.1_lowered:
.L_overlay_start_0:
0x88: {  	s2 =	sld [smem:$0x3FD9]  }
0x89: {  	s3 =	sld [smem:$0x3FFE];
	_ =	sdelay $0x1  }
0x8a: {  	s1 =	srdreg.scid  }
0x8b: {  	s0 =	sand.u32 $0x1, s1  }
0x8c: {  	s17 =	sshll.u32 s0, $0xA;
	s2 =	sadd.s32 s3, s2  }
0x8d: {  	s2 =	sadd.s32 s2, s17  }
0x8e: {  	[smem:$0x3FC4] =	sst s2  }
0x8f: {  	_ = 	snop  }
0x90: {  	s2 =	sld [smem:$0x3FD0];
	(tm) =	ssettm $0x1  }
0x91: {  	s18 =	sld [smem:$0x3FFB];
	_ =	sdelay $0x3  }
0x92: {  	_ =	strace s18  }
0x93: {  	s3 =	sld [smem:$0x3FFC];
	_ =	sdelay $0x3  }
0x94: {  	_ =	strace s3  }
0x95: {  	s3 =	sld [smem:$0x3FFD];
	_ =	sdelay $0x3  }
0x96: {  	_ =	strace s3  }
0x97: {  	_ =	strace $0x8FFFFFFF  }
0x98: {  	s19 =	sld [smem:$0x3FDB];
	_ =	sdelay $0x1  }
0x99: {  	s4 =	simm.s32 $_scs_section_size  }
0x9a: {  	s5 =	simm.s32 $_size__tile_overlayer_lowered;
	s6 =	simm.s32 $_tile_overlayer_lowered  }
0x9b: {  	s22 =	simm.s32 $0x1BFF;
	s21 =	sshll.u32 s6, $0x1;
	s3 =	sadd.s32 s4, s19  }
0x9c: {  	s7 =	simm.s32 $0x0;
	s20 =	sshll.u32 s5, $0x1;
	s5 =	sadd.s32 s21, s3  }
0x9d: {  	[timem:s7], [sflag:s22] =	dma.local [hbm:s5], s20  }
0x9e: {  	_ =	swait.ge [sflag:s22], s20  }
0x9f: {  	s4 =	ssub.s32 $0x0, s20;
	[sflag:s22] =	ssyncset.done $0x0  }
0xa0: {  	[sflag:s22] =	ssyncadd.s32 s4;
	_ =	sdelay $0x1  }
0xa1: {  	s23 =	simm.s32 $0x1B8B  }
0xa2: {  	_ =	swait.ge [sflag:s23], $0x1  }
0xa3: {  	[sflag:s23] =	ssyncset.done $0x0  }
0xa4: {  	s25 =	simm.s32 $0x1B8E;
	s24 =	sld [smem:$0x3FFE];
	[sflag:s23] =	ssyncadd.s32 $0xFFFFFFFF  }
0xa5: {  	s26 =	simm.s32 $execute0_lowered;
	[smem:$0x3FD2] =	sst s25  }
0xa6: {  	s5 =	sshll.u32 s26, $0x1;
	_ =	strace $0x80000049;
	[dreg:$0x1] =	wrdreg $0xFFFFFFFF  }
0xa7: {  	s28 =	simm.s32 $_size_execute0_lowered;
	s3 =	sadd.s32 s3, s5;
	[dreg:$0x0] =	wrdreg $0x0  }
0xa8: {  	s5 =	sshll.u32 s28, $0x1;
	[dreg:$0x2] =	wrdreg s3  }
0xa9: {  	[dreg:$0x3] =	wrdreg s5  }
0xaa: {  	[dreg:$0x4] =	wrdreg $0xC0  }
0xab: {  	_ =	task [dreg:s7], $0x5FFFF  }
0xac: {  	[dreg:$0x1] =	wrdreg $0xFFFFFFFF  }
0xad: {  	[dreg:$0x0] =	wrdreg $0x60  }
0xae: {  	[dreg:$0x2] =	wrdreg s24  }
0xaf: {  	[dreg:$0x3] =	wrdreg s2  }
0xb0: {  	[dreg:$0x4] =	wrdreg $0x90000  }
0xb1: {  	[dreg:$0x5] =	wrdreg $0x9  }
0xb2: {  	_ =	task.clear_ibuf [dreg:s7], $0x6FFFF;
	_ =	strace $0x90000049  }
0xb3: {  	s29 =	simm.s32 $0x9;
	_ =	strace $0x8000004B  }
0xb4: {  	_ =	swait.ge [sflag:s29], $0x1  }
0xb5: {  	[sflag:s29] =	ssyncadd.s32 $0xFFFFFFFF  }
0xb6: {  	_ =	strace $0x9000004B  }
0xb7: {  	_ =	sfence  }
0xb8: {  	s30 =	sld [smem:$0x0];
	_ =	sdelay $0x2  }
0xb9: {  	s31 =	sshll.u32 s1, $0xD;
	s1 =	sshrl.u32 s1, $0x2  }
0xba: {  	s3 =	sand.u32 $0x4000, s31;
	s1 =	sadd.s32 s1, s30  }
0xbb: {  	s0 =	sor.u32 s3, s0;
	s1 =	sshll.u32 s1, $0x11  }
0xbc: {  	s0 =	sor.u32 s1, s0  }
0xbd: {  	s0 =	sadd.s32 $0x8F2B, s0  }
0xbe: {  	[sflag:s0] =	ssyncadd.remote.s32 $0x1  }
0xbf: {  	_ =	sfence.sel $0xFFFF  }
0xc0: {  	[dreg:$0x0] =	wrdreg $0xFFFFFFFF;
	(pc) =	sbr.abs _section_cstart, $3  }
0xc1: {  	[dreg:$0x1] =	wrdreg $0xFFFFFFFF  }
0xc2: {  	_ =	task.clear_ibuf [dreg:s7], $0x2FFFF;
	_ =	strace $0x9FFFFFFF  }
0xc3: {  	(tm) =	ssettm $0x7FFFFFFF  }
tec
execute0_lowered:
.L_overlay_start_1:
0x0: {  	(tag) =	ssettag $0x1  }
0x1: {  	s5 =	rddreg [dreg:$0x0]  }
0x2: {  	s7 =	rddreg [dreg:$0x1]  }
0x3: {  	s0 =	srdreg.scid;
	s2 =	rddreg [dreg:$0x2]  }
0x4: {  	s3 =	simm.s32 $0x0;
	s4 =	sand.u32 $0x1, s0;
	s0 =	stileid.u32  }
0x5: {  	s14 =	simm.s32 $0x5000;
	s15 =	simm.s32 $0x0;
	s6 =	smul.u32 $0x14000, s0  }
0x6: {  	[smem:$0x7FF] =	sst s3;
	s1 =	sshll.u32 s4, $0x4;
	s9 =	smul.u32 $0x140000, s4  }
0x7: {  	s26 =	smul.u32 $0x50000, s0;
	s4 =	ssub.s32 $0x2, s4;
	s1 =	sor.u32 s0, s1  }
0x8: {  	s31 =	sshll.u32 s0, $0x6;
	s28 =	sshrl.u32 s4, $0x1;
	s8 =	smul.u32 $0x500, s1  }
0x9: {  	s1 =	rddreg [dreg:$0x3];
	_ =	strace $0x8000004A;
	s11 =	sshrl.u32 s6, $0x3  }
0xa: {  	s6 =	sadd.s32 s6, s9;
	s29 =	sshrl.u32 s26, $0x2;
	s30 =	ssub.s32 s4, s28  }
0xb: {  	s11 =	sadd.s32 s11, s5;
	s6 =	sshrl.u32 s6, $0x3;
	s13 =	sadd.s32 s29, s2  }
0xc: {  	s9 =	smax.u32 s30, $0x1;
	s10 =	sadd.s32 s8, s5;
	s12 =	sadd.s32 s6, s5  }
0xd: {  	s4 =	sadd.s32 $0x34200, s11;
	s5 =	sor.u32 $0x1C01, s31;
	s7 =	sadd.s32 s7, s8  }
0xe: {  	s11 =	simm.s32 $0x1;
	s6 =	sadd.s32 $0x2200, s10;
	s8 =	sadd.s32 $0x5C200, s12  }
0xf: {  	s10 =	sshrl.u32 s13, $0x3;
	s12 =	simm.s32 $0x2800;
	s13 =	simm.s32 $0x80  }
.LBB2_1:
0x10: {  	[spmem:s10], [sflag:s5] =	dma.local [hbm:s4], $0x2800  }
0x11: {  	_ =	swait.ge [sflag:s11], $0x2800  }
0x12: {  	[sflag:s11] =	ssyncset.done $0x0  }
0x13: {  	[sflag:s11] =	ssyncadd.s32 $0xFFFFD800  }
0x14: {  	[tilespmem:s3], [sflag:$0x1] =	stream.linear.gather [hbm4b:s6+s3], $0x2800, $0x38;
	[tilespmem:$0x1D000] =	vst v63  }
0x15: {  	_ =	swait.ge [sflag:s11], $0x2800  }
0x16: {  	[sflag:s11] =	ssyncset.done $0x0  }
0x17: {  	[sflag:s11] =	ssyncadd.s32 $0xFFFFD800  }
0x18: {  	[tilespmem:s12], [sflag:$0x1] =	stream.linear.gather [hbm4b:s7+s3], $0x2800, $0x38;
	[tilespmem:$0x1D000] =	vst v63  }
0x19: {  	_ =	swait.ge [sflag:s11], $0x2800  }
0x1a: {  	[sflag:s11] =	ssyncset.done $0x0  }
0x1b: {  	[sflag:s11] =	ssyncadd.s32 $0xFFFFD800  }
0x1c: {  	s16 =	simm.s32 $0x2800;
	[bflag:$0x0] =	sbarrier.arrive $0xFFFF  }
0x1d: {  	[spmem:s2] =	stream.indirect.scatter.add.f32 [tilespmem:s14], [sflag:$0x1], $0x80, s16, s13, $0xb8;
	[tilespmem:$0x1D000] =	vst v63  }
0x1e: {  	s16 =	simm.s32 $0x200;
	_ =	swait.ge [sflag:s11], $0x4000  }
.LBB2_2:
0x1f: {  	s17 =	sshra.s32 s16, $0x2;
	[sflag:s11] =	ssyncset.done $0x0;
	p0 =	sne.s32 s16, $0x9E00  }
.Ltmp0:
0x20: {  	s17 =	sadd.s32 $0x2800, s17;
	[sflag:s11] =	ssyncadd.s32 $0xFFFFC000;
	(pc) =	sbr.rel @p0 .LBB2_2-.Ltmp0, $3  }
0x21: {  	[spmem:s2] =	stream.indirect.scatter.add.f32 [tilespmem:s14], [sflag:$0x1], $0x80, s17, s13, $0xb8;
	[tilespmem:$0x1D000] =	vst v63  }
0x22: {  	s16 =	sadd.s32 $0x200, s16;
	_ =	sdelay $0x1  }
0x23: {  	_ =	swait.ge [sflag:s11], $0x4000  }
0x24: {  	[sflag:s11] =	ssyncset.done $0x0;
	s15 =	sadd.s32 $0x1, s15  }
0x25: {  	[sflag:s11] =	ssyncadd.s32 $0xFFFFC000;
	p0 =	sne.s32 s15, s9  }
.Ltmp1:
0x26: {  	[bflag:$0x0] =	sbarrier.arrive $0xFFFF;
	(pc) =	sbr.rel @p0 .LBB2_1-.Ltmp1, $4  }
0x27: {  	[hbm:s8], [sflag:s5] =	dma.local [spmem:s10], $0x2800  }
0x28: {  	_ =	swait.ge [sflag:s11], $0x2800  }
0x29: {  	[sflag:s11] =	ssyncset.done $0x0  }
0x2a: {  	[sflag:s11] =	ssyncadd.s32 $0xFFFFD800  }
0x2b: {  	_ =	sfence.sel $0x180000  }
0x2c: {  	[bflag:$0x0] =	sbarrier.arrive $0xFFFF  }
0x2d: {  	p0 =	sne.s32 s0, $0x0;
	_ =	strace $0x9000004A  }
0x2e: {  	s0 =	sadd.s32 @!p0 $0x100000, s1;
	[bflag:$0x2] =	sbarrier.arrive $0xFFFF  }
0x2f: {  	[sflag:s0] =	ssyncadd.tile.s32 @!p0 $0x1;
	_ =	shalt  }
.Lfunc_end2:
_tile_overlayer_lowered:
.L_overlay_start_2:
0x30: {  	(tag) =	ssettag $0x2  }
0x31: {  	s0 =	rddreg [dreg:$0x0];
	s2 =	stileid.u32  }
0x32: {  	s1 =	rddreg [dreg:$0x1];
	p0 =	sne.s32 s2, $0x0  }
0x33: {  	s3 =	rddreg [dreg:$0x2];
	[bflag:$0x3] =	sbarrier.arrive $0xFFFF;
	s2 =	simm.s32 @!p0 $0x1C01  }
0x34: {  	[timem:s3], [sflag:s2] =	dma.local @!p0 [hbm:s0], s1  }
0x35: {  	s0 =	simm.s32 @!p0 $0x1  }
0x36: {  	_ =	swait.ge @!p0 [sflag:s0], s1  }
0x37: {  	s1 =	ssub.s32 @!p0 $0x0, s1;
	[sflag:s0] =	ssyncset.done @!p0 $0x0  }
0x38: {  	[sflag:s0] =	ssyncadd.s32 @!p0 s1  }
0x39: {  	[bflag:$0x3] =	sbarrier.arrive $0xFFFF  }
0x3a: {  	_ =	shalt  }

// kernel: kernel.14.cloned.1.call-start
scs
__scs_entry_jumppad:
0x0: {  	(pc) =	sbr.rel $0x88, $3  }
0x1: {  	(tag) =	ssettag $0x0;
	lr =	simm.s32 $0x1  }
0x2: {  	[smem:$0x3F9D] =	sst lr;
	_ =	strace $0xD0000000  }
0x3: {  	_ = 	snop  }
0x4: {  	_ = 	snop  }
0x5: {  	_ = 	snop  }
0x6: {  	_ = 	snop  }
0x7: {  	_ = 	snop  }
__scs_overlays_trampoline_lowered:
0x8: {  	[smem:$0x3FAC] =	sst s0  }
0x9: {  	[smem:$0x3FAD] =	sst s1  }
0xa: {  	[smem:$0x3FAE] =	sst s2  }
0xb: {  	[smem:$0x3FAF] =	sst s3  }
0xc: {  	[smem:$0x3FB0] =	sst s4  }
0xd: {  	[smem:$0x3FB1] =	sst s5  }
0xe: {  	[smem:$0x3FB2] =	sst s6  }
0xf: {  	[smem:$0x3FB3] =	sst s7  }
0x10: {  	[smem:$0x3FB4] =	sst s8  }
0x11: {  	[smem:$0x3FB5] =	sst s9;
	s0 =	simm.s32 @!p0 $0x0  }
0x12: {  	s1 =	sld [smem:$0x3F9B];
	s0 =	simm.s32 @p0 $0x1  }
0x13: {  	[smem:$0x3FB6] =	sst s0;
	s0 =	simm.s32 @!p1 $0x0  }
0x14: {  	s2 =	sld [smem:$0x3F9A];
	s0 =	simm.s32 @p1 $0x1  }
0x15: {  	[smem:$0x3FB7] =	sst s0;
	s0 =	simm.s32 @!p2 $0x0  }
0x16: {  	s3 =	sld [smem:$0x3FDB];
	s0 =	simm.s32 @p2 $0x1  }
0x17: {  	s4 =	simm.s32 $0x1BF5;
	[smem:$0x3FB9] =	sst s0  }
0x18: {  	s0 =	sld [smem:$0x3F9C];
	_ =	swait.ge [sflag:s4], $0x0  }
0x19: {  	s7 =	sld [smem:$0x3F9D]  }
0x1a: {  	s8 =	sadd.s32 $0xFFFFE003, lr  }
0x1b: {  	s9 =	sadd.s32 $0xFFFFFEF7, lr;
	s5 =	simm.s32 $0xFFFFFFFF;
	p2 =	slt.u32 s8, $0xFFFFF086  }
0x1c: {  	p1 =	slt.u32 s9, $0xF7A;
	s5 =	simm.s32 @!p2 $0x0  }
0x1d: {  	s5 =	simm.s32 @p1 $0x1;
	p0 =	seq.s32 s7, s2  }
0x1e: {  	s7 =	smul.u32 @!p0 $0xF7A, s2;
	p2 =	seq.s32 @!p0 s5, $0x0  }
0x1f: {  	s9 =	smul.u32 $0xF7A, s1;
	s8 =	simm.s32 @!p0 $0x1BF5;
	p2 =	por !p2, p0  }
0x20: {  	[sflag:s8] =	ssyncset.s32 @!p0 $0xFFFFF086;
	s6 =	sadd.s32 @!p0 s3, s7;
	s7 =	simm.s32 @!p0 $0x108  }
0x21: {  	s3 =	sadd.s32 s3, s9;
	s6 =	sadd.s32 @!p0 $0x88, s6;
	s7 =	simm.s32 @p2 $0x1082  }
0x22: {  	[simem:s7], [sflag:s8] =	dma.local @!p0 [hbm:s6], $0xF7A  }
0x23: {  	s9 =	sor.u32 $0xD0000000, s2;
	s6 =	simm.s32 $0x108;
	_ =	swait.ge @!p0 [sflag:s8], $0x0  }
0x24: {  	s3 =	sadd.s32 $0x88, s3;
	s6 =	simm.s32 @!p1 $0x1082;
	[sflag:s4] =	ssyncset.s32 $0xFFFFF086  }
0x25: {  	[simem:s6], [sflag:s4] =	dma.local [hbm:s3], $0xF7A  }
0x26: {  	[smem:$0x3F9D] =	sst s1;
	(tag) =	ssettag s2;
	_ =	strace s9  }
0x27: {  	s1 =	sld [smem:$0x3FAD]  }
0x28: {  	s2 =	sld [smem:$0x3FAE]  }
0x29: {  	s4 =	sld [smem:$0x3FB0]  }
0x2a: {  	p0 =	seq.s32 s5, $0x0;
	s5 =	sld [smem:$0x3FB1]  }
0x2b: {  	s6 =	sld [smem:$0x3FB2]  }
0x2c: {  	s7 =	sld [smem:$0x3FB3]  }
0x2d: {  	s3 =	simm.s32 $0x108;
	s8 =	sld [smem:$0x3FB4]  }
0x2e: {  	s3 =	simm.s32 @!p0 $0x1082;
	s9 =	sld [smem:$0x3FB5]  }
0x2f: {  	lr =	sadd.s32 s0, s3;
	s0 =	sld [smem:$0x3FAC]  }
0x30: {  	s3 =	sld [smem:$0x3FAF]  }
0x31: {  	[smem:$0x3FB8] =	sst s10  }
0x32: {  	s10 =	sld [smem:$0x3FB6];
	_ =	sdelay $0x3  }
0x33: {  	p0 =	seq.s32 s10, $0x1;
	s10 =	sld [smem:$0x3FB8];
	_ =	sdelay $0x3  }
0x34: {  	[smem:$0x3FB8] =	sst s10  }
0x35: {  	s10 =	sld [smem:$0x3FB7];
	_ =	sdelay $0x3  }
0x36: {  	p1 =	seq.s32 s10, $0x1;
	s10 =	sld [smem:$0x3FB8];
	_ =	sdelay $0x3  }
0x37: {  	[smem:$0x3FB8] =	sst s10  }
0x38: {  	s10 =	sld [smem:$0x3FB9]  }
0x39: {  	_ = 	snop;
	(pc) =	sbr.ind lr, $3  }
0x3a: {  	_ = 	snop  }
0x3b: {  	_ = 	snop  }
0x3c: {  	p2 =	seq.s32 s10, $0x1;
	s10 =	sld [smem:$0x3FB8]  }
0x3d: {  	_ =	shalt  }
0x3e: {  	_ =	shalt  }
0x3f: {  	_ =	shalt  }
0x40: {  	_ =	shalt  }
0x41: {  	_ =	shalt  }
0x42: {  	_ =	shalt  }
0x43: {  	_ =	shalt  }
0x44: {  	_ =	shalt  }
0x45: {  	_ =	shalt  }
0x46: {  	_ =	shalt  }
0x47: {  	_ =	shalt  }
0x48: {  	_ =	shalt  }
0x49: {  	_ =	shalt  }
0x4a: {  	_ =	shalt  }
0x4b: {  	_ =	shalt  }
0x4c: {  	_ =	shalt  }
0x4d: {  	_ =	shalt  }
0x4e: {  	_ =	shalt  }
0x4f: {  	_ =	shalt  }
0x50: {  	_ =	shalt  }
0x51: {  	_ =	shalt  }
0x52: {  	_ =	shalt  }
0x53: {  	_ =	shalt  }
0x54: {  	_ =	shalt  }
0x55: {  	_ =	shalt  }
0x56: {  	_ =	shalt  }
0x57: {  	_ =	shalt  }
0x58: {  	_ =	shalt  }
0x59: {  	_ =	shalt  }
0x5a: {  	_ =	shalt  }
0x5b: {  	_ =	shalt  }
0x5c: {  	_ =	shalt  }
0x5d: {  	_ =	shalt  }
0x5e: {  	_ =	shalt  }
0x5f: {  	_ =	shalt  }
0x60: {  	_ =	shalt  }
0x61: {  	_ =	shalt  }
0x62: {  	_ =	shalt  }
0x63: {  	_ =	shalt  }
0x64: {  	_ =	shalt  }
0x65: {  	_ =	shalt  }
0x66: {  	_ =	shalt  }
0x67: {  	_ =	shalt  }
0x68: {  	_ =	shalt  }
0x69: {  	_ =	shalt  }
0x6a: {  	_ =	shalt  }
0x6b: {  	_ =	shalt  }
0x6c: {  	_ =	shalt  }
0x6d: {  	_ =	shalt  }
0x6e: {  	_ =	shalt  }
0x6f: {  	_ =	shalt  }
0x70: {  	_ =	shalt  }
0x71: {  	_ =	shalt  }
0x72: {  	_ =	shalt  }
0x73: {  	_ =	shalt  }
0x74: {  	_ =	shalt  }
0x75: {  	_ =	shalt  }
0x76: {  	_ =	shalt  }
0x77: {  	_ =	shalt  }
0x78: {  	_ =	shalt  }
0x79: {  	_ =	shalt  }
0x7a: {  	_ =	shalt  }
0x7b: {  	_ =	shalt  }
0x7c: {  	_ =	shalt  }
0x7d: {  	_ =	shalt  }
0x7e: {  	_ =	shalt  }
0x7f: {  	_ =	shalt  }
0x80: {  	_ =	shalt  }
0x81: {  	_ =	shalt  }
0x82: {  	_ =	shalt  }
0x83: {  	_ =	shalt  }
0x84: {  	_ =	shalt  }
0x85: {  	_ =	shalt  }
0x86: {  	_ =	shalt  }
0x87: {  	_ =	shalt  }
.Lfunc_end0:
.L_simem_size_0:
called_computation.2_lowered:
.L_overlay_start_0:
0x88: {  	s2 =	sld [smem:$0x3FD9]  }
0x89: {  	s3 =	sld [smem:$0x3FFE];
	_ =	sdelay $0x1  }
0x8a: {  	s1 =	srdreg.scid  }
0x8b: {  	s0 =	sand.u32 $0x1, s1  }
0x8c: {  	s17 =	sshll.u32 s0, $0xA;
	s2 =	sadd.s32 s3, s2  }
0x8d: {  	s2 =	sadd.s32 s2, s17  }
0x8e: {  	[smem:$0x3FC4] =	sst s2  }
0x8f: {  	_ = 	snop  }
0x90: {  	s2 =	sld [smem:$0x3FD0];
	(tm) =	ssettm $0x1  }
0x91: {  	s18 =	sld [smem:$0x3FFB];
	_ =	sdelay $0x3  }
0x92: {  	_ =	strace s18  }
0x93: {  	s3 =	sld [smem:$0x3FFC];
	_ =	sdelay $0x3  }
0x94: {  	_ =	strace s3  }
0x95: {  	s3 =	sld [smem:$0x3FFD];
	_ =	sdelay $0x3  }
0x96: {  	_ =	strace s3  }
0x97: {  	_ =	strace $0x8FFFFFFF  }
0x98: {  	s19 =	sld [smem:$0x3FDB];
	_ =	sdelay $0x1  }
0x99: {  	s4 =	simm.s32 $_scs_section_size  }
0x9a: {  	s5 =	simm.s32 $_size__tile_overlayer_lowered;
	s6 =	simm.s32 $_tile_overlayer_lowered  }
0x9b: {  	s22 =	simm.s32 $0x1BFF;
	s21 =	sshll.u32 s6, $0x1;
	s3 =	sadd.s32 s4, s19  }
0x9c: {  	s7 =	simm.s32 $0x0;
	s20 =	sshll.u32 s5, $0x1;
	s5 =	sadd.s32 s21, s3  }
0x9d: {  	[timem:s7], [sflag:s22] =	dma.local [hbm:s5], s20  }
0x9e: {  	_ =	swait.ge [sflag:s22], s20  }
0x9f: {  	s4 =	ssub.s32 $0x0, s20;
	[sflag:s22] =	ssyncset.done $0x0  }
0xa0: {  	[sflag:s22] =	ssyncadd.s32 s4;
	_ =	sdelay $0x1  }
0xa1: {  	s23 =	simm.s32 $0x1B8B  }
0xa2: {  	_ =	swait.ge [sflag:s23], $0x1  }
0xa3: {  	[sflag:s23] =	ssyncset.done $0x0  }
0xa4: {  	s25 =	simm.s32 $0x1B8E;
	s24 =	sld [smem:$0x3FFE];
	[sflag:s23] =	ssyncadd.s32 $0xFFFFFFFF  }
0xa5: {  	s26 =	simm.s32 $execute0_lowered;
	[smem:$0x3FD2] =	sst s25  }
0xa6: {  	s5 =	sshll.u32 s26, $0x1;
	_ =	strace $0x8000004C;
	[dreg:$0x1] =	wrdreg $0xFFFFFFFF  }
0xa7: {  	s28 =	simm.s32 $_size_execute0_lowered;
	s3 =	sadd.s32 s3, s5;
	[dreg:$0x0] =	wrdreg $0x0  }
0xa8: {  	s5 =	sshll.u32 s28, $0x1;
	[dreg:$0x2] =	wrdreg s3  }
0xa9: {  	[dreg:$0x3] =	wrdreg s5  }
0xaa: {  	[dreg:$0x4] =	wrdreg $0xC0  }
0xab: {  	_ =	task [dreg:s7], $0x5FFFF  }
0xac: {  	[dreg:$0x1] =	wrdreg $0xFFFFFFFF  }
0xad: {  	[dreg:$0x0] =	wrdreg $0x60  }
0xae: {  	[dreg:$0x2] =	wrdreg s24  }
0xaf: {  	[dreg:$0x3] =	wrdreg s2  }
0xb0: {  	[dreg:$0x4] =	wrdreg $0x90000  }
0xb1: {  	[dreg:$0x5] =	wrdreg $0x9  }
0xb2: {  	_ =	task.clear_ibuf [dreg:s7], $0x6FFFF;
	_ =	strace $0x9000004C  }
0xb3: {  	s29 =	simm.s32 $0x9;
	_ =	strace $0x8000004E  }
0xb4: {  	_ =	swait.ge [sflag:s29], $0x1  }
0xb5: {  	[sflag:s29] =	ssyncadd.s32 $0xFFFFFFFF  }
0xb6: {  	_ =	strace $0x9000004E  }
0xb7: {  	_ =	sfence  }
0xb8: {  	s30 =	sld [smem:$0x0];
	_ =	sdelay $0x2  }
0xb9: {  	s31 =	sshll.u32 s1, $0xD;
	s1 =	sshrl.u32 s1, $0x2  }
0xba: {  	s3 =	sand.u32 $0x4000, s31;
	s1 =	sadd.s32 s1, s30  }
0xbb: {  	s0 =	sor.u32 s3, s0;
	s1 =	sshll.u32 s1, $0x11  }
0xbc: {  	s0 =	sor.u32 s1, s0  }
0xbd: {  	s0 =	sadd.s32 $0x8F2B, s0  }
0xbe: {  	[sflag:s0] =	ssyncadd.remote.s32 $0x1  }
0xbf: {  	_ =	sfence.sel $0xFFFF  }
0xc0: {  	[dreg:$0x0] =	wrdreg $0xFFFFFFFF;
	(pc) =	sbr.abs _section_cstart, $3  }
0xc1: {  	[dreg:$0x1] =	wrdreg $0xFFFFFFFF  }
0xc2: {  	_ =	task.clear_ibuf [dreg:s7], $0x2FFFF;
	_ =	strace $0x9FFFFFFF  }
0xc3: {  	(tm) =	ssettm $0x7FFFFFFF  }
tec
execute0_lowered:
.L_overlay_start_1:
0x0: {  	(tag) =	ssettag $0x1  }
0x1: {  	s5 =	rddreg [dreg:$0x0]  }
0x2: {  	s7 =	rddreg [dreg:$0x1]  }
0x3: {  	s0 =	srdreg.scid;
	s2 =	rddreg [dreg:$0x2]  }
0x4: {  	s3 =	simm.s32 $0x0;
	s4 =	sand.u32 $0x1, s0;
	s0 =	stileid.u32  }
0x5: {  	s14 =	simm.s32 $0x5000;
	s15 =	simm.s32 $0x0;
	s6 =	smul.u32 $0x14000, s0  }
0x6: {  	[smem:$0x7FF] =	sst s3;
	s1 =	sshll.u32 s4, $0x4;
	s9 =	smul.u32 $0x140000, s4  }
0x7: {  	s26 =	smul.u32 $0x50000, s0;
	s4 =	ssub.s32 $0x2, s4;
	s1 =	sor.u32 s0, s1  }
0x8: {  	s31 =	sshll.u32 s0, $0x6;
	s28 =	sshrl.u32 s4, $0x1;
	s8 =	smul.u32 $0x500, s1  }
0x9: {  	s1 =	rddreg [dreg:$0x3];
	_ =	strace $0x8000004D;
	s11 =	sshrl.u32 s6, $0x3  }
0xa: {  	s6 =	sadd.s32 s6, s9;
	s29 =	sshrl.u32 s26, $0x2;
	s30 =	ssub.s32 s4, s28  }
0xb: {  	s11 =	sadd.s32 s11, s5;
	s6 =	sshrl.u32 s6, $0x3;
	s13 =	sadd.s32 s29, s2  }
0xc: {  	s9 =	smax.u32 s30, $0x1;
	s10 =	sadd.s32 s8, s5;
	s12 =	sadd.s32 s6, s5  }
0xd: {  	s4 =	sadd.s32 $0x34200, s11;
	s5 =	sor.u32 $0x1C01, s31;
	s7 =	sadd.s32 s7, s8  }
0xe: {  	s11 =	simm.s32 $0x1;
	s6 =	sadd.s32 $0x2200, s10;
	s8 =	sadd.s32 $0x5C200, s12  }
0xf: {  	s10 =	sshrl.u32 s13, $0x3;
	s12 =	simm.s32 $0x2800;
	s13 =	simm.s32 $0x80  }
.LBB2_1:
0x10: {  	[spmem:s10], [sflag:s5] =	dma.local [hbm:s4], $0x2800  }
0x11: {  	_ =	swait.ge [sflag:s11], $0x2800  }
0x12: {  	[sflag:s11] =	ssyncset.done $0x0  }
0x13: {  	[sflag:s11] =	ssyncadd.s32 $0xFFFFD800  }
0x14: {  	[tilespmem:s3], [sflag:$0x1] =	stream.linear.gather [hbm4b:s6+s3], $0x2800, $0x38;
	[tilespmem:$0x1D000] =	vst v63  }
0x15: {  	_ =	swait.ge [sflag:s11], $0x2800  }
0x16: {  	[sflag:s11] =	ssyncset.done $0x0  }
0x17: {  	[sflag:s11] =	ssyncadd.s32 $0xFFFFD800  }
0x18: {  	[tilespmem:s12], [sflag:$0x1] =	stream.linear.gather [hbm4b:s7+s3], $0x2800, $0x38;
	[tilespmem:$0x1D000] =	vst v63  }
0x19: {  	_ =	swait.ge [sflag:s11], $0x2800  }
0x1a: {  	[sflag:s11] =	ssyncset.done $0x0  }
0x1b: {  	[sflag:s11] =	ssyncadd.s32 $0xFFFFD800  }
0x1c: {  	s16 =	simm.s32 $0x2800;
	[bflag:$0x0] =	sbarrier.arrive $0xFFFF  }
0x1d: {  	[spmem:s2] =	stream.indirect.scatter.add.f32 [tilespmem:s14], [sflag:$0x1], $0x80, s16, s13, $0xb8;
	[tilespmem:$0x1D000] =	vst v63  }
0x1e: {  	s16 =	simm.s32 $0x200;
	_ =	swait.ge [sflag:s11], $0x4000  }
.LBB2_2:
0x1f: {  	s17 =	sshra.s32 s16, $0x2;
	[sflag:s11] =	ssyncset.done $0x0;
	p0 =	sne.s32 s16, $0x9E00  }
.Ltmp0:
0x20: {  	s17 =	sadd.s32 $0x2800, s17;
	[sflag:s11] =	ssyncadd.s32 $0xFFFFC000;
	(pc) =	sbr.rel @p0 .LBB2_2-.Ltmp0, $3  }
0x21: {  	[spmem:s2] =	stream.indirect.scatter.add.f32 [tilespmem:s14], [sflag:$0x1], $0x80, s17, s13, $0xb8;
	[tilespmem:$0x1D000] =	vst v63  }
0x22: {  	s16 =	sadd.s32 $0x200, s16;
	_ =	sdelay $0x1  }
0x23: {  	_ =	swait.ge [sflag:s11], $0x4000  }
0x24: {  	[sflag:s11] =	ssyncset.done $0x0;
	s15 =	sadd.s32 $0x1, s15  }
0x25: {  	[sflag:s11] =	ssyncadd.s32 $0xFFFFC000;
	p0 =	sne.s32 s15, s9  }
.Ltmp1:
0x26: {  	[bflag:$0x0] =	sbarrier.arrive $0xFFFF;
	(pc) =	sbr.rel @p0 .LBB2_1-.Ltmp1, $4  }
0x27: {  	[hbm:s8], [sflag:s5] =	dma.local [spmem:s10], $0x2800  }
0x28: {  	_ =	swait.ge [sflag:s11], $0x2800  }
0x29: {  	[sflag:s11] =	ssyncset.done $0x0  }
0x2a: {  	[sflag:s11] =	ssyncadd.s32 $0xFFFFD800  }
0x2b: {  	_ =	sfence.sel $0x180000  }
0x2c: {  	[bflag:$0x0] =	sbarrier.arrive $0xFFFF  }
0x2d: {  	p0 =	sne.s32 s0, $0x0;
	_ =	strace $0x9000004D  }
0x2e: {  	s0 =	sadd.s32 @!p0 $0x100000, s1;
	[bflag:$0x2] =	sbarrier.arrive $0xFFFF  }
0x2f: {  	[sflag:s0] =	ssyncadd.tile.s32 @!p0 $0x1;
	_ =	shalt  }
.Lfunc_end2:
_tile_overlayer_lowered:
.L_overlay_start_2:
0x30: {  	(tag) =	ssettag $0x2  }
0x31: {  	s0 =	rddreg [dreg:$0x0];
	s2 =	stileid.u32  }
0x32: {  	s1 =	rddreg [dreg:$0x1];
	p0 =	sne.s32 s2, $0x0  }
0x33: {  	s3 =	rddreg [dreg:$0x2];
	[bflag:$0x3] =	sbarrier.arrive $0xFFFF;
	s2 =	simm.s32 @!p0 $0x1C01  }
0x34: {  	[timem:s3], [sflag:s2] =	dma.local @!p0 [hbm:s0], s1  }
0x35: {  	s0 =	simm.s32 @!p0 $0x1  }
0x36: {  	_ =	swait.ge @!p0 [sflag:s0], s1  }
0x37: {  	s1 =	ssub.s32 @!p0 $0x0, s1;
	[sflag:s0] =	ssyncset.done @!p0 $0x0  }
0x38: {  	[sflag:s0] =	ssyncadd.s32 @!p0 s1  }
0x39: {  	[bflag:$0x3] =	sbarrier.arrive $0xFFFF  }
0x3a: {  	_ =	shalt  }

// kernel: kernel.8.cloned.1.call-start
scs
__scs_entry_jumppad:
0x0: {  	(pc) =	sbr.rel $0x88, $3  }
0x1: {  	(tag) =	ssettag $0x0;
	lr =	simm.s32 $0x1  }
0x2: {  	[smem:$0x3F9D] =	sst lr;
	_ =	strace $0xD0000000  }
0x3: {  	_ = 	snop  }
0x4: {  	_ = 	snop  }
0x5: {  	_ = 	snop  }
0x6: {  	_ = 	snop  }
0x7: {  	_ = 	snop  }
__scs_overlays_trampoline_lowered:
0x8: {  	[smem:$0x3FAC] =	sst s0  }
0x9: {  	[smem:$0x3FAD] =	sst s1  }
0xa: {  	[smem:$0x3FAE] =	sst s2  }
0xb: {  	[smem:$0x3FAF] =	sst s3  }
0xc: {  	[smem:$0x3FB0] =	sst s4  }
0xd: {  	[smem:$0x3FB1] =	sst s5  }
0xe: {  	[smem:$0x3FB2] =	sst s6  }
0xf: {  	[smem:$0x3FB3] =	sst s7  }
0x10: {  	[smem:$0x3FB4] =	sst s8  }
0x11: {  	[smem:$0x3FB5] =	sst s9;
	s0 =	simm.s32 @!p0 $0x0  }
0x12: {  	s1 =	sld [smem:$0x3F9B];
	s0 =	simm.s32 @p0 $0x1  }
0x13: {  	[smem:$0x3FB6] =	sst s0;
	s0 =	simm.s32 @!p1 $0x0  }
0x14: {  	s2 =	sld [smem:$0x3F9A];
	s0 =	simm.s32 @p1 $0x1  }
0x15: {  	[smem:$0x3FB7] =	sst s0;
	s0 =	simm.s32 @!p2 $0x0  }
0x16: {  	s3 =	sld [smem:$0x3FDB];
	s0 =	simm.s32 @p2 $0x1  }
0x17: {  	s4 =	simm.s32 $0x1BF5;
	[smem:$0x3FB9] =	sst s0  }
0x18: {  	s0 =	sld [smem:$0x3F9C];
	_ =	swait.ge [sflag:s4], $0x0  }
0x19: {  	s7 =	sld [smem:$0x3F9D]  }
0x1a: {  	s8 =	sadd.s32 $0xFFFFE003, lr  }
0x1b: {  	s9 =	sadd.s32 $0xFFFFFEF7, lr;
	s5 =	simm.s32 $0xFFFFFFFF;
	p2 =	slt.u32 s8, $0xFFFFF086  }
0x1c: {  	p1 =	slt.u32 s9, $0xF7A;
	s5 =	simm.s32 @!p2 $0x0  }
0x1d: {  	s5 =	simm.s32 @p1 $0x1;
	p0 =	seq.s32 s7, s2  }
0x1e: {  	s7 =	smul.u32 @!p0 $0xF7A, s2;
	p2 =	seq.s32 @!p0 s5, $0x0  }
0x1f: {  	s9 =	smul.u32 $0xF7A, s1;
	s8 =	simm.s32 @!p0 $0x1BF5;
	p2 =	por !p2, p0  }
0x20: {  	[sflag:s8] =	ssyncset.s32 @!p0 $0xFFFFF086;
	s6 =	sadd.s32 @!p0 s3, s7;
	s7 =	simm.s32 @!p0 $0x108  }
0x21: {  	s3 =	sadd.s32 s3, s9;
	s6 =	sadd.s32 @!p0 $0x88, s6;
	s7 =	simm.s32 @p2 $0x1082  }
0x22: {  	[simem:s7], [sflag:s8] =	dma.local @!p0 [hbm:s6], $0xF7A  }
0x23: {  	s9 =	sor.u32 $0xD0000000, s2;
	s6 =	simm.s32 $0x108;
	_ =	swait.ge @!p0 [sflag:s8], $0x0  }
0x24: {  	s3 =	sadd.s32 $0x88, s3;
	s6 =	simm.s32 @!p1 $0x1082;
	[sflag:s4] =	ssyncset.s32 $0xFFFFF086  }
0x25: {  	[simem:s6], [sflag:s4] =	dma.local [hbm:s3], $0xF7A  }
0x26: {  	[smem:$0x3F9D] =	sst s1;
	(tag) =	ssettag s2;
	_ =	strace s9  }
0x27: {  	s1 =	sld [smem:$0x3FAD]  }
0x28: {  	s2 =	sld [smem:$0x3FAE]  }
0x29: {  	s4 =	sld [smem:$0x3FB0]  }
0x2a: {  	p0 =	seq.s32 s5, $0x0;
	s5 =	sld [smem:$0x3FB1]  }
0x2b: {  	s6 =	sld [smem:$0x3FB2]  }
0x2c: {  	s7 =	sld [smem:$0x3FB3]  }
0x2d: {  	s3 =	simm.s32 $0x108;
	s8 =	sld [smem:$0x3FB4]  }
0x2e: {  	s3 =	simm.s32 @!p0 $0x1082;
	s9 =	sld [smem:$0x3FB5]  }
0x2f: {  	lr =	sadd.s32 s0, s3;
	s0 =	sld [smem:$0x3FAC]  }
0x30: {  	s3 =	sld [smem:$0x3FAF]  }
0x31: {  	[smem:$0x3FB8] =	sst s10  }
0x32: {  	s10 =	sld [smem:$0x3FB6];
	_ =	sdelay $0x3  }
0x33: {  	p0 =	seq.s32 s10, $0x1;
	s10 =	sld [smem:$0x3FB8];
	_ =	sdelay $0x3  }
0x34: {  	[smem:$0x3FB8] =	sst s10  }
0x35: {  	s10 =	sld [smem:$0x3FB7];
	_ =	sdelay $0x3  }
0x36: {  	p1 =	seq.s32 s10, $0x1;
	s10 =	sld [smem:$0x3FB8];
	_ =	sdelay $0x3  }
0x37: {  	[smem:$0x3FB8] =	sst s10  }
0x38: {  	s10 =	sld [smem:$0x3FB9]  }
0x39: {  	_ = 	snop;
	(pc) =	sbr.ind lr, $3  }
0x3a: {  	_ = 	snop  }
0x3b: {  	_ = 	snop  }
0x3c: {  	p2 =	seq.s32 s10, $0x1;
	s10 =	sld [smem:$0x3FB8]  }
0x3d: {  	_ =	shalt  }
0x3e: {  	_ =	shalt  }
0x3f: {  	_ =	shalt  }
0x40: {  	_ =	shalt  }
0x41: {  	_ =	shalt  }
0x42: {  	_ =	shalt  }
0x43: {  	_ =	shalt  }
0x44: {  	_ =	shalt  }
0x45: {  	_ =	shalt  }
0x46: {  	_ =	shalt  }
0x47: {  	_ =	shalt  }
0x48: {  	_ =	shalt  }
0x49: {  	_ =	shalt  }
0x4a: {  	_ =	shalt  }
0x4b: {  	_ =	shalt  }
0x4c: {  	_ =	shalt  }
0x4d: {  	_ =	shalt  }
0x4e: {  	_ =	shalt  }
0x4f: {  	_ =	shalt  }
0x50: {  	_ =	shalt  }
0x51: {  	_ =	shalt  }
0x52: {  	_ =	shalt  }
0x53: {  	_ =	shalt  }
0x54: {  	_ =	shalt  }
0x55: {  	_ =	shalt  }
0x56: {  	_ =	shalt  }
0x57: {  	_ =	shalt  }
0x58: {  	_ =	shalt  }
0x59: {  	_ =	shalt  }
0x5a: {  	_ =	shalt  }
0x5b: {  	_ =	shalt  }
0x5c: {  	_ =	shalt  }
0x5d: {  	_ =	shalt  }
0x5e: {  	_ =	shalt  }
0x5f: {  	_ =	shalt  }
0x60: {  	_ =	shalt  }
0x61: {  	_ =	shalt  }
0x62: {  	_ =	shalt  }
0x63: {  	_ =	shalt  }
0x64: {  	_ =	shalt  }
0x65: {  	_ =	shalt  }
0x66: {  	_ =	shalt  }
0x67: {  	_ =	shalt  }
0x68: {  	_ =	shalt  }
0x69: {  	_ =	shalt  }
0x6a: {  	_ =	shalt  }
0x6b: {  	_ =	shalt  }
0x6c: {  	_ =	shalt  }
0x6d: {  	_ =	shalt  }
0x6e: {  	_ =	shalt  }
0x6f: {  	_ =	shalt  }
0x70: {  	_ =	shalt  }
0x71: {  	_ =	shalt  }
0x72: {  	_ =	shalt  }
0x73: {  	_ =	shalt  }
0x74: {  	_ =	shalt  }
0x75: {  	_ =	shalt  }
0x76: {  	_ =	shalt  }
0x77: {  	_ =	shalt  }
0x78: {  	_ =	shalt  }
0x79: {  	_ =	shalt  }
0x7a: {  	_ =	shalt  }
0x7b: {  	_ =	shalt  }
0x7c: {  	_ =	shalt  }
0x7d: {  	_ =	shalt  }
0x7e: {  	_ =	shalt  }
0x7f: {  	_ =	shalt  }
0x80: {  	_ =	shalt  }
0x81: {  	_ =	shalt  }
0x82: {  	_ =	shalt  }
0x83: {  	_ =	shalt  }
0x84: {  	_ =	shalt  }
0x85: {  	_ =	shalt  }
0x86: {  	_ =	shalt  }
0x87: {  	_ =	shalt  }
.Lfunc_end0:
.L_simem_size_0:
called_computation_lowered:
.L_overlay_start_0:
0x88: {  	s2 =	sld [smem:$0x3FD9]  }
0x89: {  	s3 =	sld [smem:$0x3FFE];
	_ =	sdelay $0x1  }
0x8a: {  	s1 =	srdreg.scid  }
0x8b: {  	s0 =	sand.u32 $0x1, s1  }
0x8c: {  	s17 =	sshll.u32 s0, $0xA;
	s2 =	sadd.s32 s3, s2  }
0x8d: {  	s2 =	sadd.s32 s2, s17  }
0x8e: {  	[smem:$0x3FC4] =	sst s2  }
0x8f: {  	_ = 	snop  }
0x90: {  	s2 =	sld [smem:$0x3FD0];
	(tm) =	ssettm $0x1  }
0x91: {  	s18 =	sld [smem:$0x3FFB];
	_ =	sdelay $0x3  }
0x92: {  	_ =	strace s18  }
0x93: {  	s3 =	sld [smem:$0x3FFC];
	_ =	sdelay $0x3  }
0x94: {  	_ =	strace s3  }
0x95: {  	s3 =	sld [smem:$0x3FFD];
	_ =	sdelay $0x3  }
0x96: {  	_ =	strace s3  }
0x97: {  	_ =	strace $0x8FFFFFFF  }
0x98: {  	s19 =	sld [smem:$0x3FDB];
	_ =	sdelay $0x1  }
0x99: {  	s4 =	simm.s32 $_scs_section_size  }
0x9a: {  	s5 =	simm.s32 $_size__tile_overlayer_lowered;
	s6 =	simm.s32 $_tile_overlayer_lowered  }
0x9b: {  	s22 =	simm.s32 $0x1BFF;
	s21 =	sshll.u32 s6, $0x1;
	s3 =	sadd.s32 s4, s19  }
0x9c: {  	s7 =	simm.s32 $0x0;
	s20 =	sshll.u32 s5, $0x1;
	s5 =	sadd.s32 s21, s3  }
0x9d: {  	[timem:s7], [sflag:s22] =	dma.local [hbm:s5], s20  }
0x9e: {  	_ =	swait.ge [sflag:s22], s20  }
0x9f: {  	s4 =	ssub.s32 $0x0, s20;
	[sflag:s22] =	ssyncset.done $0x0  }
0xa0: {  	[sflag:s22] =	ssyncadd.s32 s4;
	_ =	sdelay $0x1  }
0xa1: {  	s23 =	simm.s32 $0x1B8B  }
0xa2: {  	_ =	swait.ge [sflag:s23], $0x1  }
0xa3: {  	[sflag:s23] =	ssyncset.done $0x0  }
0xa4: {  	s25 =	simm.s32 $0x1B8E;
	s24 =	sld [smem:$0x3FFE];
	[sflag:s23] =	ssyncadd.s32 $0xFFFFFFFF  }
0xa5: {  	s26 =	simm.s32 $execute0_lowered;
	[smem:$0x3FD2] =	sst s25  }
0xa6: {  	s5 =	sshll.u32 s26, $0x1;
	_ =	strace $0x80000046;
	[dreg:$0x1] =	wrdreg $0xFFFFFFFF  }
0xa7: {  	s28 =	simm.s32 $_size_execute0_lowered;
	s3 =	sadd.s32 s3, s5;
	[dreg:$0x0] =	wrdreg $0x0  }
0xa8: {  	s5 =	sshll.u32 s28, $0x1;
	[dreg:$0x2] =	wrdreg s3  }
0xa9: {  	[dreg:$0x3] =	wrdreg s5  }
0xaa: {  	[dreg:$0x4] =	wrdreg $0xC0  }
0xab: {  	_ =	task [dreg:s7], $0x5FFFF  }
0xac: {  	[dreg:$0x1] =	wrdreg $0xFFFFFFFF  }
0xad: {  	[dreg:$0x0] =	wrdreg $0x60  }
0xae: {  	[dreg:$0x2] =	wrdreg s2  }
0xaf: {  	[dreg:$0x3] =	wrdreg s24  }
0xb0: {  	[dreg:$0x4] =	wrdreg $0x2B000  }
0xb1: {  	[dreg:$0x5] =	wrdreg $0x9  }
0xb2: {  	_ =	task.clear_ibuf [dreg:s7], $0x6FFFF;
	_ =	strace $0x90000046  }
0xb3: {  	s29 =	simm.s32 $0x9;
	_ =	strace $0x80000048  }
0xb4: {  	_ =	swait.ge [sflag:s29], $0x1  }
0xb5: {  	[sflag:s29] =	ssyncadd.s32 $0xFFFFFFFF  }
0xb6: {  	_ =	strace $0x90000048  }
0xb7: {  	_ =	sfence  }
0xb8: {  	s30 =	sld [smem:$0x0];
	_ =	sdelay $0x2  }
0xb9: {  	s31 =	sshll.u32 s1, $0xD;
	s1 =	sshrl.u32 s1, $0x2  }
0xba: {  	s3 =	sand.u32 $0x4000, s31;
	s1 =	sadd.s32 s1, s30  }
0xbb: {  	s0 =	sor.u32 s3, s0;
	s1 =	sshll.u32 s1, $0x11  }
0xbc: {  	s0 =	sor.u32 s1, s0  }
0xbd: {  	s0 =	sadd.s32 $0x8F2B, s0  }
0xbe: {  	[sflag:s0] =	ssyncadd.remote.s32 $0x1  }
0xbf: {  	_ =	sfence.sel $0xFFFF  }
0xc0: {  	[dreg:$0x0] =	wrdreg $0xFFFFFFFF;
	(pc) =	sbr.abs _section_cstart, $3  }
0xc1: {  	[dreg:$0x1] =	wrdreg $0xFFFFFFFF  }
0xc2: {  	_ =	task.clear_ibuf [dreg:s7], $0x2FFFF;
	_ =	strace $0x9FFFFFFF  }
0xc3: {  	(tm) =	ssettm $0x7FFFFFFF  }
tec
execute0_lowered:
.L_overlay_start_1:
0x0: {  	(tag) =	ssettag $0x1  }
0x1: {  	s4 =	rddreg [dreg:$0x0]  }
0x2: {  	s5 =	rddreg [dreg:$0x1]  }
0x3: {  	s2 =	rddreg [dreg:$0x2]  }
0x4: {  	s0 =	rddreg [dreg:$0x3]  }
0x5: {  	s3 =	simm.s32 $0x0;
	s6 =	srdreg.scid;
	s1 =	stileid.u32  }
0x6: {  	s11 =	simm.s32 $0x2800;
	s14 =	simm.s32 $0x20;
	s15 =	simm.s32 $0x10  }
0x7: {  	s16 =	simm.s32 $0x0;
	[smem:$0x7FF] =	sst s3;
	s7 =	smul.u32 $0x500, s1  }
0x8: {  	s6 =	sand.u32 $0x1, s6;
	s30 =	smul.u32 $0xA00, s1;
	s12 =	sshll.u32 s1, $0x6  }
0x9: {  	_ =	strace $0x80000047;
	s8 =	sshll.u32 s6, $0x7;
	s9 =	sshll.u32 s6, $0x4  }
0xa: {  	s6 =	ssub.s32 $0x2, s6;
	s12 =	sor.u32 $0x1C01, s12;
	s7 =	sor.u32 s8, s7  }
0xb: {  	s29 =	sor.u32 s1, s9;
	s31 =	sshrl.u32 s6, $0x1;
	s9 =	sshrl.u32 s30, $0x2  }
0xc: {  	s7 =	sshrl.u32 s7, $0x3;
	s8 =	smul.u32 $0x500, s29;
	s10 =	ssub.s32 s6, s31  }
0xd: {  	s7 =	sadd.s32 s7, s5;
	s5 =	sadd.s32 s9, s2;
	s9 =	simm.s32 $0x2880  }
0xe: {  	s4 =	sadd.s32 s4, s8;
	s6 =	sadd.s32 $0x1800, s7;
	s7 =	smax.u32 s10, $0x1  }
0xf: {  	v0 =	vimm.f32 $1.000000000e+00;
	v1 =	vimm.f32 $0.0e+00;
	s8 =	simm.s32 $0x1;
	s10 =	simm.s32 $0x80;
	s13 =	sshrl.u32 s5, $0x3  }
.LBB2_1:
0x10: {  	[tilespmem:s3], [sflag:$0x1] =	stream.linear.gather [hbm4b:s4+s3], $0x2800, $0x38;
	[tilespmem:$0x2D80] =	vst v63  }
0x11: {  	_ =	swait.ge [sflag:s8], $0x2800  }
0x12: {  	[sflag:s8] =	ssyncset.done $0x0  }
0x13: {  	[sflag:s8] =	ssyncadd.s32 $0xFFFFD800  }
0x14: {  	[tilespmem:$0x2800] =	vst v0  }
0x15: {  	[tilespmem:$0x2810] =	vst v0  }
0x16: {  	[tilespmem:$0x2820] =	vst v0  }
0x17: {  	[tilespmem:$0x2830] =	vst v0  }
0x18: {  	[tilespmem:$0x2840] =	vst v0  }
0x19: {  	[tilespmem:$0x2850] =	vst v0  }
0x1a: {  	[tilespmem:$0x2860] =	vst v0  }
0x1b: {  	[tilespmem:$0x2870] =	vst v0  }
0x1c: {  	[tilespmem:$0x2880] =	vst v1  }
0x1d: {  	[tilespmem:$0x2890] =	vst v1  }
0x1e: {  	[tilespmem:$0x28A0] =	vst v1  }
0x1f: {  	[tilespmem:$0x28B0] =	vst v1  }
0x20: {  	[tilespmem:$0x28C0] =	vst v1  }
0x21: {  	[tilespmem:$0x28D0] =	vst v1  }
0x22: {  	[tilespmem:$0x28E0] =	vst v1  }
0x23: {  	[tilespmem:$0x28F0] =	vst v1  }
0x24: {  	[tilespmem:$0x2900] =	vst v1  }
0x25: {  	[tilespmem:$0x2910] =	vst v1  }
0x26: {  	[tilespmem:$0x2920] =	vst v1  }
0x27: {  	[tilespmem:$0x2930] =	vst v1  }
0x28: {  	[tilespmem:$0x2940] =	vst v1  }
0x29: {  	[tilespmem:$0x2950] =	vst v1  }
0x2a: {  	[tilespmem:$0x2960] =	vst v1  }
0x2b: {  	[tilespmem:$0x2970] =	vst v1  }
0x2c: {  	[tilespmem:$0x2980] =	vst v1  }
0x2d: {  	[tilespmem:$0x2990] =	vst v1  }
0x2e: {  	[tilespmem:$0x29A0] =	vst v1  }
0x2f: {  	[tilespmem:$0x29B0] =	vst v1  }
0x30: {  	[tilespmem:$0x29C0] =	vst v1  }
0x31: {  	[tilespmem:$0x29D0] =	vst v1  }
0x32: {  	[tilespmem:$0x29E0] =	vst v1  }
0x33: {  	[tilespmem:$0x29F0] =	vst v1  }
0x34: {  	[tilespmem:$0x2A00] =	vst v1  }
0x35: {  	[tilespmem:$0x2A10] =	vst v1  }
0x36: {  	[tilespmem:$0x2A20] =	vst v1  }
0x37: {  	[tilespmem:$0x2A30] =	vst v1  }
0x38: {  	[tilespmem:$0x2A40] =	vst v1  }
0x39: {  	[tilespmem:$0x2A50] =	vst v1  }
0x3a: {  	[tilespmem:$0x2A60] =	vst v1  }
0x3b: {  	[tilespmem:$0x2A70] =	vst v1  }
0x3c: {  	[tilespmem:$0x2A80] =	vst v1  }
0x3d: {  	[tilespmem:$0x2A90] =	vst v1  }
0x3e: {  	[tilespmem:$0x2AA0] =	vst v1  }
0x3f: {  	[tilespmem:$0x2AB0] =	vst v1  }
0x40: {  	[tilespmem:$0x2AC0] =	vst v1  }
0x41: {  	[tilespmem:$0x2AD0] =	vst v1  }
0x42: {  	[tilespmem:$0x2AE0] =	vst v1  }
0x43: {  	[tilespmem:$0x2AF0] =	vst v1  }
0x44: {  	[spmem:s5] =	stream.linear.scatter [tilespmem:s9], [sflag:$0x1], $0x280, $0x38;
	[tilespmem:$0x2D80] =	vst v63  }
0x45: {  	_ =	swait.ge [sflag:s8], $0x280  }
0x46: {  	[sflag:s8] =	ssyncset.done $0x0  }
0x47: {  	[sflag:s8] =	ssyncadd.s32 $0xFFFFFD80  }
0x48: {  	s17 =	simm.s32 $0x0;
	[bflag:$0x0] =	sbarrier.arrive $0xFFFF  }
0x49: {  	[spmem:s2] =	stream.indirect.scatter.add.f32 [tilespmem:s11], [sflag:$0x1], $0x1, s17, s10, $0xb8;
	[tilespmem:$0x2D80] =	vst v63  }
0x4a: {  	_ =	swait.ge [sflag:s8], $0x80  }
0x4b: {  	s17 =	simm.s32 $0x200;
	[sflag:s8] =	ssyncset.done $0x0  }
.LBB2_2:
0x4c: {  	s18 =	sshra.s32 s17, $0x2;
	[sflag:s8] =	ssyncadd.s32 $0xFFFFFF80;
	p0 =	sne.s32 s17, $0x9E00  }
0x4d: {  	[spmem:s2] =	stream.indirect.scatter.add.f32 [tilespmem:s11], [sflag:$0x1], $0x1, s18, s10, $0xb8;
	[tilespmem:$0x2D80] =	vst v63  }
.Ltmp0:
0x4e: {  	_ = 	snop;
	(pc) =	sbr.rel @p0 .LBB2_2-.Ltmp0, $4  }
0x4f: {  	_ = 	snop  }
0x50: {  	s17 =	sadd.s32 $0x200, s17  }
0x51: {  	_ =	swait.ge [sflag:s8], $0x80  }
0x52: {  	[sflag:s8] =	ssyncset.done $0x0  }
0x53: {  	s16 =	sadd.s32 $0x1, s16  }
0x54: {  	[sflag:s8] =	ssyncadd.s32 $0xFFFFFF80;
	p0 =	sne.s32 s16, s7  }
.Ltmp1:
0x55: {  	[bflag:$0x0] =	sbarrier.arrive $0xFFFF;
	(pc) =	sbr.rel @p0 .LBB2_1-.Ltmp1, $4  }
0x56: {  	[hbm:s6@s14], [sflag:s12] =	dma.strided [spmem:s13@s15], $0x50, s8, $0x10   }
0x57: {  	_ =	swait.ge [sflag:s8], $0x50  }
0x58: {  	[sflag:s8] =	ssyncset.done $0x0  }
0x59: {  	[sflag:s8] =	ssyncadd.s32 $0xFFFFFFB0  }
0x5a: {  	_ =	sfence.sel $0x180000  }
0x5b: {  	[bflag:$0x0] =	sbarrier.arrive $0xFFFF  }
0x5c: {  	p0 =	sne.s32 s1, $0x0;
	_ =	strace $0x90000047  }
0x5d: {  	s0 =	sadd.s32 @!p0 $0x100000, s0;
	[bflag:$0x2] =	sbarrier.arrive $0xFFFF  }
0x5e: {  	[sflag:s0] =	ssyncadd.tile.s32 @!p0 $0x1;
	_ =	shalt  }
.Lfunc_end2:
_tile_overlayer_lowered:
.L_overlay_start_2:
0x5f: {  	(tag) =	ssettag $0x2  }
0x60: {  	s0 =	rddreg [dreg:$0x0];
	s2 =	stileid.u32  }
0x61: {  	s1 =	rddreg [dreg:$0x1];
	p0 =	sne.s32 s2, $0x0  }
0x62: {  	s3 =	rddreg [dreg:$0x2];
	[bflag:$0x3] =	sbarrier.arrive $0xFFFF;
	s2 =	simm.s32 @!p0 $0x1C01  }
0x63: {  	[timem:s3], [sflag:s2] =	dma.local @!p0 [hbm:s0], s1  }
0x64: {  	s0 =	simm.s32 @!p0 $0x1  }
0x65: {  	_ =	swait.ge @!p0 [sflag:s0], s1  }
0x66: {  	s1 =	ssub.s32 @!p0 $0x0, s1;
	[sflag:s0] =	ssyncset.done @!p0 $0x0  }
0x67: {  	[sflag:s0] =	ssyncadd.s32 @!p0 s1  }
0x68: {  	[bflag:$0x3] =	sbarrier.arrive $0xFFFF  }
0x69: {  	_ =	shalt  }

</sc_bundles>
